<compile_context>
chip_gen: v7x
topology: tpu7x:2x2x1
jax: 0.10.2.dev20260603
libtpu: 0.0.44.dev20260713+nightly
codegen_flags: <defaults>
</compile_context>

<pallas_src>
import functools

import jax
import jax.numpy as jnp
from jax import lax
from jax.experimental import pallas as pl
from jax.experimental.pallas import tpu as pltpu
from jax.experimental.pallas import tpu_sc as plsc

N = 10000
E = 320000
D = 128
H = 128
C = 40
G = 64

NC, NS, L = 2, 16, 16
NW = NC * NS
FPT = H // NW
EC = 20000
EPT = E // NW

_f32 = jnp.float32
_i32 = jnp.int32

_sc_mesh = plsc.VectorSubcoreMesh(
    core_axis_name="c", subcore_axis_name="s", num_cores=NC, num_subcores=NS)

_sc_params = pltpu.CompilerParams(needs_layout_passes=False)


def _wid():
    return lax.axis_index("s") * NC + lax.axis_index("c")


MASK16 = 0xFFFF


@functools.partial(
    pl.kernel,
    out_type=jax.ShapeDtypeStruct((NW, N), _f32),
    mesh=_sc_mesh,
    scratch_types=[
        pltpu.VMEM((N,), _f32),
        pltpu.VMEM((EPT,), _i32),
        pltpu.SemaphoreType.DMA,
    ],
    compiler_params=_sc_params,
)
def _deg_kernel(dst_hbm, out_hbm, hist, ebuf, sem):
    wid = _wid()
    zeros = jnp.zeros((L,), _f32)
    ones = jnp.full((L,), 1.0, _f32)

    cp = pltpu.async_copy(dst_hbm.at[pl.ds(wid * EPT, EPT)], ebuf, sem)

    def zero_body(i, _):
        hist[pl.ds(i * L, L)] = zeros
        return 0
    lax.fori_loop(0, N // L, zero_body, 0, unroll=8)

    cp.wait()

    @plsc.parallel_loop(0, EPT // L, 1, unroll=8)
    def grp(g):
        d = ebuf[pl.ds(g * L, L)]
        plsc.addupdate_scatter(hist, [d], ones)

    pltpu.sync_copy(hist, out_hbm.at[wid])


@functools.partial(
    pl.kernel,
    out_type=jax.ShapeDtypeStruct((H * N,), _f32),
    mesh=_sc_mesh,
    scratch_types=[
        pltpu.VMEM((FPT * N,), _f32),
        pltpu.VMEM((FPT * N,), _f32),
        pltpu.VMEM((EC,), _i32),
        pltpu.VMEM((EC,), _i32),
        pltpu.SemaphoreType.DMA,
        pltpu.SemaphoreType.DMA,
        pltpu.SemaphoreType.DMA,
    ],
    compiler_params=_sc_params,
)
def _scatter_kernel(feat_hbm, pk_hbm, out_hbm, feat, acc, ebuf0, ebuf1, semf,
                    sem0, sem1):
    wid = _wid()
    base = wid * FPT * N
    nch = E // EC
    ebufs = (ebuf0, ebuf1)
    sems = (sem0, sem1)

    cpf = pltpu.async_copy(feat_hbm.at[pl.ds(base, FPT * N)], feat, semf)
    pltpu.async_copy(pk_hbm.at[pl.ds(0, EC)], ebuf0, sem0)

    zeros = jnp.zeros((L,), _f32)

    def zero_body(i, _):
        acc[pl.ds(i * L, L)] = zeros
        return 0
    lax.fori_loop(0, FPT * N // L, zero_body, 0, unroll=8)

    cpf.wait()

    offs = [jnp.full((L,), f * N, _i32) for f in range(FPT)]

    def outer(cc, _):
        for b in range(2):
            c = cc * 2 + b
            pltpu.make_async_copy(
                pk_hbm.at[pl.ds(c * EC, EC)], ebufs[b], sems[b]).wait()

            @pl.when(c + 1 < nch)
            def _():
                pltpu.async_copy(pk_hbm.at[pl.ds((c + 1) * EC, EC)],
                                 ebufs[1 - b], sems[1 - b])

            ebc = ebufs[b]

            @plsc.parallel_loop(0, EC // L, 1, unroll=8)
            def grp(g):
                p = ebc[pl.ds(g * L, L)]
                s = p & MASK16
                d = lax.shift_right_logical(p, 16)
                for f in range(FPT):
                    v = plsc.load_gather(feat, [s + offs[f]])
                    plsc.addupdate_scatter(acc, [d + offs[f]], v)
        return 0
    lax.fori_loop(0, nch // 2, outer, 0)

    pltpu.sync_copy(acc, out_hbm.at[pl.ds(base, FPT * N)])


_DOT = dict(preferred_element_type=_f32)


def _tc1_body(hists_ref, x_ref, w1_ref, src_ref, dst_ref, hs_ref, dinv_ref,
              pk_ref):
    deg = 1.0 + jnp.sum(hists_ref[...], axis=0, keepdims=True)
    dinv = lax.rsqrt(deg)
    hwT = lax.dot_general(w1_ref[...], x_ref[...],
                          (((0,), (1,)), ((), ())), **_DOT)
    hs_ref[...] = hwT * dinv
    dinv_ref[...] = dinv
    pk_ref[...] = src_ref[...] | (dst_ref[...] << 16)


def _bn_relu_T(pre, g_col, be_col):
    m = jnp.mean(pre, axis=1, keepdims=True)
    cen = pre - m
    var = jnp.mean(cen * cen, axis=1, keepdims=True)
    return jnp.maximum(cen * lax.rsqrt(var + 1e-5) * g_col + be_col, 0.0)


def _tc2_body(s1_ref, hs1_ref, dinv_ref, b1_ref, g1_ref, be1_ref, w2_ref,
              hs2_ref):
    dinv = dinv_ref[...]
    pre = (s1_ref[...] + hs1_ref[...]) * dinv + b1_ref[...]
    h1 = _bn_relu_T(pre, g1_ref[...], be1_ref[...])
    hw2 = lax.dot_general(w2_ref[...], h1, (((0,), (0,)), ((), ())), **_DOT)
    hs2_ref[...] = hw2 * dinv


def _tc3_body(s2_ref, hs2_ref, dinv_ref, b2_ref, g2_ref, be2_ref, batch_ref,
              fcw_ref, fcb_ref, out_ref):
    dinv = dinv_ref[...]
    pre = (s2_ref[...] + hs2_ref[...]) * dinv + b2_ref[...]
    h2 = _bn_relu_T(pre, g2_ref[...], be2_ref[...])
    seg = lax.broadcasted_iota(_i32, (G, N), 0)
    onehot = (batch_ref[...] == seg).astype(_f32)
    cnt = jnp.sum(onehot, axis=1, keepdims=True)
    pooled = lax.dot_general(onehot, h2, (((1,), (1,)), ((), ())), **_DOT)
    pooled = pooled / jnp.maximum(cnt, 1.0)
    out_ref[...] = lax.dot_general(pooled, fcw_ref[...],
                                   (((1,), (0,)), ((), ())), **_DOT) \
        + fcb_ref[...]


_tc1 = pl.pallas_call(
    _tc1_body,
    out_shape=[jax.ShapeDtypeStruct((H, N), _f32),
               jax.ShapeDtypeStruct((1, N), _f32),
               jax.ShapeDtypeStruct((E // 640, 640), _i32)],
)

_tc2 = pl.pallas_call(
    _tc2_body,
    out_shape=jax.ShapeDtypeStruct((H, N), _f32),
)

_tc3 = pl.pallas_call(
    _tc3_body,
    out_shape=jax.ShapeDtypeStruct((G, C), _f32),
)


def kernel(x, edge_index, batch, W1, b1, g1, be1, W2, b2, g2, be2, fcW, fcb):
    src = edge_index[0]
    dst = edge_index[1]
    hists = _deg_kernel(dst)
    hs1T, dinv, packed2 = _tc1(hists, x, W1, src.reshape(E // 640, 640),
                               dst.reshape(E // 640, 640))
    packed = packed2.reshape(E)
    s1T = _scatter_kernel(hs1T.reshape(H * N), packed).reshape(H, N)
    hs2T = _tc2(s1T, hs1T, dinv, b1.reshape(H, 1), g1.reshape(H, 1),
                be1.reshape(H, 1), W2)
    s2T = _scatter_kernel(hs2T.reshape(H * N), packed).reshape(H, N)
    out = _tc3(s2T, hs2T, dinv, b2.reshape(H, 1), g2.reshape(H, 1),
               be2.reshape(H, 1), batch.reshape(1, N), fcW,
               fcb.reshape(1, C))
    return out

# --- scband reference (transcript-rebuilt; emitter-appended) ---
"""Pipeline reference for scband-gcn-12249246728930 (READ-ONLY COPY).

The authoritative reference and input builder live on the scoring server;
editing this copy changes nothing except your own understanding.
"""

import jax, jax.numpy as jnp
import numpy as np

N = 10000
E = 320000
D = 128
H = 128
C = 40
G = 64


def setup_inputs(seed: int = 0) -> dict:
    key = jax.random.key(seed)
    ks = jax.random.split(key, 16)
    x = jax.random.normal(ks[0], (N, D), dtype=jnp.float32)
    edge_index = jax.random.randint(ks[1], (2, E), 0, N, dtype=jnp.int32)
    batch = jnp.sort(jax.random.randint(ks[2], (N,), 0, G, dtype=jnp.int32))
    W1 = jax.random.normal(ks[3], (D, H), dtype=jnp.float32) * (1.0 / np.sqrt(D))
    b1 = jnp.zeros((H,), dtype=jnp.float32)
    g1 = jnp.ones((H,), dtype=jnp.float32)
    be1 = jnp.zeros((H,), dtype=jnp.float32)
    W2 = jax.random.normal(ks[4], (H, H), dtype=jnp.float32) * (1.0 / np.sqrt(H))
    b2 = jnp.zeros((H,), dtype=jnp.float32)
    g2 = jnp.ones((H,), dtype=jnp.float32)
    be2 = jnp.zeros((H,), dtype=jnp.float32)
    fcW = jax.random.normal(ks[5], (H, C), dtype=jnp.float32) * (1.0 / np.sqrt(H))
    fcb = jnp.zeros((C,), dtype=jnp.float32)
    return {"x": x, "edge_index": edge_index, "batch": batch,
            "W1": W1, "b1": b1, "g1": g1, "be1": be1,
            "W2": W2, "b2": b2, "g2": g2, "be2": be2,
            "fcW": fcW, "fcb": fcb}


def reference(x, edge_index, batch, W1, b1, g1, be1, W2, b2, g2, be2, fcW, fcb):
    n = x.shape[0]
    loop = jnp.arange(n, dtype=edge_index.dtype)
    src = jnp.concatenate([edge_index[0], loop])
    dst = jnp.concatenate([edge_index[1], loop])
    deg = jnp.zeros((n,), x.dtype).at[dst].add(1.0)
    dinv = jnp.where(deg > 0, 1.0 / jnp.sqrt(deg), 0.0)
    norm = dinv[src] * dinv[dst]

    def conv(h, W, b):
        hw = h @ W
        msg = hw[src] * norm[:, None]
        return jnp.zeros_like(hw).at[dst].add(msg) + b

    def bn(h, g, be):
        m = h.mean(axis=0)
        v = h.var(axis=0)
        return (h - m) / jnp.sqrt(v + 1e-5) * g + be

    h = jax.nn.relu(bn(conv(x, W1, b1), g1, be1))
    # dropout is identity in eval mode
    h = jax.nn.relu(bn(conv(h, W2, b2), g2, be2))
    ones = jnp.ones((n,), h.dtype)
    cnt = jax.ops.segment_sum(ones, batch, num_segments=G)
    s = jax.ops.segment_sum(h, batch, num_segments=G)
    pooled = s / jnp.maximum(cnt, 1.0)[:, None]
    return pooled @ fcW + fcb

if __name__ == "__main__":
    import jax
    _d = setup_inputs()
    print(jax.jit(kernel)(*tuple(_d.values())))

</pallas_src>

<mosaic_0001>
#map = affine_map<(d0, d1) -> (0)>
module attributes {stable_mosaic.version = 14 : i64} {
  func.func @_scatter_kernel(%arg0: i32, %arg1: i32, %arg2: memref<1280000xf32, #tpu.memory_space<hbm>>, %arg3: memref<320000xi32, #tpu.memory_space<hbm>>, %arg4: memref<1280000xf32, #tpu.memory_space<hbm>>, %arg5: memref<40000xf32, #tpu.memory_space<vmem>>, %arg6: memref<40000xf32, #tpu.memory_space<vmem>>, %arg7: memref<20000xi32, #tpu.memory_space<vmem>>, %arg8: memref<20000xi32, #tpu.memory_space<vmem>>, %arg9: memref<!tpu.dma_semaphore, #tpu.memory_space<semaphore_mem>>, %arg10: memref<!tpu.dma_semaphore, #tpu.memory_space<semaphore_mem>>, %arg11: memref<!tpu.dma_semaphore, #tpu.memory_space<semaphore_mem>>) attributes {dimension_semantics = [#tpu.dimension_semantics<core_parallel>, #tpu.dimension_semantics<subcore_parallel>], iteration_bounds = array<i64: 2, 16>, scalar_prefetch = 0 : i64, scratch_operands = 7 : i64, tpu.core_type = #tpu.core_type<sc_vector_subcore>, window_params = [{transform_indices = #map}, {transform_indices = #map}, {transform_indices = #map}]} {
    %mul3A = arith.constant 2 : i32
    %mul3A_0 = arith.muli %arg1, %mul3A : i32
    %add3A = arith.addi %mul3A_0, %arg0 : i32
    %mul3A_1 = arith.constant 4 : i32
    %mul3A_2 = arith.muli %add3A, %mul3A_1 : i32
    %mul3A_3 = arith.constant 10000 : i32
    %mul3A_4 = arith.muli %mul3A_2, %mul3A_3 : i32
    %dma_start3A = tpu.memref_slice %arg2[%mul3A_4] : memref<1280000xf32, #tpu.memory_space<hbm>> -> memref<40000xf32, #tpu.memory_space<hbm>>
    %dma_start3A_5 = tpu.memref_slice %arg2[%mul3A_4] : memref<1280000xf32, #tpu.memory_space<hbm>> -> memref<40000xf32, #tpu.memory_space<hbm>>
    tpu.enqueue_dma source(%dma_start3A_5 : memref<40000xf32, #tpu.memory_space<hbm>>) target(%arg5 : memref<40000xf32, #tpu.memory_space<vmem>>) target_semaphore(%arg9 : memref<!tpu.dma_semaphore, #tpu.memory_space<semaphore_mem>>)
    %dma_start3A_6 = arith.constant 0 : i32
    %dma_start3A_7 = tpu.memref_slice %arg3[%dma_start3A_6] : memref<320000xi32, #tpu.memory_space<hbm>> -> memref<20000xi32, #tpu.memory_space<hbm>>
    %dma_start3A_8 = arith.constant 0 : i32
    %dma_start3A_9 = tpu.memref_slice %arg3[%dma_start3A_8] : memref<320000xi32, #tpu.memory_space<hbm>> -> memref<20000xi32, #tpu.memory_space<hbm>>
    tpu.enqueue_dma source(%dma_start3A_9 : memref<20000xi32, #tpu.memory_space<hbm>>) target(%arg7 : memref<20000xi32, #tpu.memory_space<vmem>>) target_semaphore(%arg10 : memref<!tpu.dma_semaphore, #tpu.memory_space<semaphore_mem>>)
    %broadcast_in_dim3A = arith.constant 0.000000e+00 : f32
    %broadcast_in_dim3A_10 = vector.broadcast %broadcast_in_dim3A : f32 to vector<16xf32>
    %scan3A = arith.constant 0 : i32
    %scan3A_11 = arith.constant 0 : i32
    %scan3A_12 = arith.constant 2496 : i32
    %scan3A_13 = arith.addi %scan3A_11, %scan3A_12 : i32
    %scan3A_14 = arith.constant 8 : i32
    %scan3A_15 = scf.for %scan3A_60 = %scan3A_11 to %scan3A_13 step %scan3A_14 iter_args(%scan3A_61 = %scan3A) -> (i32)  : i32 {
      %mul3A_62 = arith.constant 16 : i32
      %mul3A_63 = arith.muli %scan3A_60, %mul3A_62 : i32
      %swap3A_64 = arith.index_cast %mul3A_63 : i32 to index
      %swap3A_65 = tpu.vector_load %arg6[%swap3A_64] {strides = array<i32>} : memref<40000xf32, #tpu.memory_space<vmem>>, vector<16xf32>,
      tpu.vector_store %arg6[%swap3A_64], %broadcast_in_dim3A_10 {strides = array<i32>} : memref<40000xf32, #tpu.memory_space<vmem>>, vector<16xf32>,
      %scan3A_66 = arith.constant 0 : i32
      %scan3A_67 = arith.constant 1 : i32
      %scan3A_68 = arith.addi %scan3A_60, %scan3A_67 : i32
      %mul3A_69 = arith.constant 16 : i32
      %mul3A_70 = arith.muli %scan3A_68, %mul3A_69 : i32
      %swap3A_71 = arith.index_cast %mul3A_70 : i32 to index
      %swap3A_72 = tpu.vector_load %arg6[%swap3A_71] {strides = array<i32>} : memref<40000xf32, #tpu.memory_space<vmem>>, vector<16xf32>,
      tpu.vector_store %arg6[%swap3A_71], %broadcast_in_dim3A_10 {strides = array<i32>} : memref<40000xf32, #tpu.memory_space<vmem>>, vector<16xf32>,
      %scan3A_73 = arith.constant 0 : i32
      %scan3A_74 = arith.constant 2 : i32
      %scan3A_75 = arith.addi %scan3A_60, %scan3A_74 : i32
      %mul3A_76 = arith.constant 16 : i32
      %mul3A_77 = arith.muli %scan3A_75, %mul3A_76 : i32
      %swap3A_78 = arith.index_cast %mul3A_77 : i32 to index
      %swap3A_79 = tpu.vector_load %arg6[%swap3A_78] {strides = array<i32>} : memref<40000xf32, #tpu.memory_space<vmem>>, vector<16xf32>,
      tpu.vector_store %arg6[%swap3A_78], %broadcast_in_dim3A_10 {strides = array<i32>} : memref<40000xf32, #tpu.memory_space<vmem>>, vector<16xf32>,
      %scan3A_80 = arith.constant 0 : i32
      %scan3A_81 = arith.constant 3 : i32
      %scan3A_82 = arith.addi %scan3A_60, %scan3A_81 : i32
      %mul3A_83 = arith.constant 16 : i32
      %mul3A_84 = arith.muli %scan3A_82, %mul3A_83 : i32
      %swap3A_85 = arith.index_cast %mul3A_84 : i32 to index
      %swap3A_86 = tpu.vector_load %arg6[%swap3A_85] {strides = array<i32>} : memref<40000xf32, #tpu.memory_space<vmem>>, vector<16xf32>,
      tpu.vector_store %arg6[%swap3A_85], %broadcast_in_dim3A_10 {strides = array<i32>} : memref<40000xf32, #tpu.memory_space<vmem>>, vector<16xf32>,
      %scan3A_87 = arith.constant 0 : i32
      %scan3A_88 = arith.constant 4 : i32
      %scan3A_89 = arith.addi %scan3A_60, %scan3A_88 : i32
      %mul3A_90 = arith.constant 16 : i32
      %mul3A_91 = arith.muli %scan3A_89, %mul3A_90 : i32
      %swap3A_92 = arith.index_cast %mul3A_91 : i32 to index
      %swap3A_93 = tpu.vector_load %arg6[%swap3A_92] {strides = array<i32>} : memref<40000xf32, #tpu.memory_space<vmem>>, vector<16xf32>,
      tpu.vector_store %arg6[%swap3A_92], %broadcast_in_dim3A_10 {strides = array<i32>} : memref<40000xf32, #tpu.memory_space<vmem>>, vector<16xf32>,
      %scan3A_94 = arith.constant 0 : i32
      %scan3A_95 = arith.constant 5 : i32
      %scan3A_96 = arith.addi %scan3A_60, %scan3A_95 : i32
      %mul3A_97 = arith.constant 16 : i32
      %mul3A_98 = arith.muli %scan3A_96, %mul3A_97 : i32
      %swap3A_99 = arith.index_cast %mul3A_98 : i32 to index
      %swap3A_100 = tpu.vector_load %arg6[%swap3A_99] {strides = array<i32>} : memref<40000xf32, #tpu.memory_space<vmem>>, vector<16xf32>,
      tpu.vector_store %arg6[%swap3A_99], %broadcast_in_dim3A_10 {strides = array<i32>} : memref<40000xf32, #tpu.memory_space<vmem>>, vector<16xf32>,
      %scan3A_101 = arith.constant 0 : i32
      %scan3A_102 = arith.constant 6 : i32
      %scan3A_103 = arith.addi %scan3A_60, %scan3A_102 : i32
      %mul3A_104 = arith.constant 16 : i32
      %mul3A_105 = arith.muli %scan3A_103, %mul3A_104 : i32
      %swap3A_106 = arith.index_cast %mul3A_105 : i32 to index
      %swap3A_107 = tpu.vector_load %arg6[%swap3A_106] {strides = array<i32>} : memref<40000xf32, #tpu.memory_space<vmem>>, vector<16xf32>,
      tpu.vector_store %arg6[%swap3A_106], %broadcast_in_dim3A_10 {strides = array<i32>} : memref<40000xf32, #tpu.memory_space<vmem>>, vector<16xf32>,
      %scan3A_108 = arith.constant 0 : i32
      %scan3A_109 = arith.constant 7 : i32
      %scan3A_110 = arith.addi %scan3A_60, %scan3A_109 : i32
      %mul3A_111 = arith.constant 16 : i32
      %mul3A_112 = arith.muli %scan3A_110, %mul3A_111 : i32
      %swap3A_113 = arith.index_cast %mul3A_112 : i32 to index
      %swap3A_114 = tpu.vector_load %arg6[%swap3A_113] {strides = array<i32>} : memref<40000xf32, #tpu.memory_space<vmem>>, vector<16xf32>,
      tpu.vector_store %arg6[%swap3A_113], %broadcast_in_dim3A_10 {strides = array<i32>} : memref<40000xf32, #tpu.memory_space<vmem>>, vector<16xf32>,
      %scan3A_115 = arith.constant 0 : i32
      scf.yield %scan3A_115 : i32
    }
    %scan3A_16 = arith.constant 2496 : i32
    %scan3A_17 = arith.addi %scan3A_11, %scan3A_16 : i32
    %mul3A_18 = arith.constant 16 : i32
    %mul3A_19 = arith.muli %scan3A_17, %mul3A_18 : i32
    %swap3A = arith.index_cast %mul3A_19 : i32 to index
    %swap3A_20 = tpu.vector_load %arg6[%swap3A] {strides = array<i32>} : memref<40000xf32, #tpu.memory_space<vmem>>, vector<16xf32>,
    tpu.vector_store %arg6[%swap3A], %broadcast_in_dim3A_10 {strides = array<i32>} : memref<40000xf32, #tpu.memory_space<vmem>>, vector<16xf32>,
    %scan3A_21 = arith.constant 0 : i32
    %scan3A_22 = arith.constant 2497 : i32
    %scan3A_23 = arith.addi %scan3A_11, %scan3A_22 : i32
    %mul3A_24 = arith.constant 16 : i32
    %mul3A_25 = arith.muli %scan3A_23, %mul3A_24 : i32
    %swap3A_26 = arith.index_cast %mul3A_25 : i32 to index
    %swap3A_27 = tpu.vector_load %arg6[%swap3A_26] {strides = array<i32>} : memref<40000xf32, #tpu.memory_space<vmem>>, vector<16xf32>,
    tpu.vector_store %arg6[%swap3A_26], %broadcast_in_dim3A_10 {strides = array<i32>} : memref<40000xf32, #tpu.memory_space<vmem>>, vector<16xf32>,
    %scan3A_28 = arith.constant 0 : i32
    %scan3A_29 = arith.constant 2498 : i32
    %scan3A_30 = arith.addi %scan3A_11, %scan3A_29 : i32
    %mul3A_31 = arith.constant 16 : i32
    %mul3A_32 = arith.muli %scan3A_30, %mul3A_31 : i32
    %swap3A_33 = arith.index_cast %mul3A_32 : i32 to index
    %swap3A_34 = tpu.vector_load %arg6[%swap3A_33] {strides = array<i32>} : memref<40000xf32, #tpu.memory_space<vmem>>, vector<16xf32>,
    tpu.vector_store %arg6[%swap3A_33], %broadcast_in_dim3A_10 {strides = array<i32>} : memref<40000xf32, #tpu.memory_space<vmem>>, vector<16xf32>,
    %scan3A_35 = arith.constant 0 : i32
    %scan3A_36 = arith.constant 2499 : i32
    %scan3A_37 = arith.addi %scan3A_11, %scan3A_36 : i32
    %mul3A_38 = arith.constant 16 : i32
    %mul3A_39 = arith.muli %scan3A_37, %mul3A_38 : i32
    %swap3A_40 = arith.index_cast %mul3A_39 : i32 to index
    %swap3A_41 = tpu.vector_load %arg6[%swap3A_40] {strides = array<i32>} : memref<40000xf32, #tpu.memory_space<vmem>>, vector<16xf32>,
    tpu.vector_store %arg6[%swap3A_40], %broadcast_in_dim3A_10 {strides = array<i32>} : memref<40000xf32, #tpu.memory_space<vmem>>, vector<16xf32>,
    %scan3A_42 = arith.constant 0 : i32
    %scan3A_43 = arith.constant 2500 : i32
    %dma_wait3A = tpu.memref_slice %arg2[%mul3A_4] : memref<1280000xf32, #tpu.memory_space<hbm>> -> memref<40000xf32, #tpu.memory_space<hbm>>
    %dma_wait3A_44 = tpu.memref_slice %arg2[%mul3A_4] : memref<1280000xf32, #tpu.memory_space<hbm>> -> memref<40000xf32, #tpu.memory_space<hbm>>
    tpu.wait_dma2 semaphore(%arg9 : memref<!tpu.dma_semaphore, #tpu.memory_space<semaphore_mem>>) src(%dma_wait3A_44 : memref<40000xf32, #tpu.memory_space<hbm>>) dst(%arg5 : memref<40000xf32, #tpu.memory_space<vmem>>)
    %broadcast_in_dim3A_45 = arith.constant 0 : i32
    %broadcast_in_dim3A_46 = vector.broadcast %broadcast_in_dim3A_45 : i32 to vector<16xi32>
    %broadcast_in_dim3A_47 = arith.constant 10000 : i32
    %broadcast_in_dim3A_48 = vector.broadcast %broadcast_in_dim3A_47 : i32 to vector<16xi32>
    %broadcast_in_dim3A_49 = arith.constant 20000 : i32
    %broadcast_in_dim3A_50 = vector.broadcast %broadcast_in_dim3A_49 : i32 to vector<16xi32>
    %broadcast_in_dim3A_51 = arith.constant 30000 : i32
    %broadcast_in_dim3A_52 = vector.broadcast %broadcast_in_dim3A_51 : i32 to vector<16xi32>
    %scan3A_53 = arith.constant 0 : i32
    %scan3A_54 = arith.constant 0 : i32
    %scan3A_55 = arith.constant 8 : i32
    %scan3A_56 = arith.addi %scan3A_54, %scan3A_55 : i32
    %scan3A_57 = arith.constant 1 : i32
    %scan3A_58 = scf.for %scan3A_60 = %scan3A_54 to %scan3A_56 step %scan3A_57 iter_args(%scan3A_61 = %scan3A_53) -> (i32)  : i32 {
      %mul3A_62 = arith.constant 2 : i32
      %mul3A_63 = arith.muli %scan3A_60, %mul3A_62 : i32
      %add3A_64 = arith.constant 0 : i32
      %add3A_65 = arith.addi %mul3A_63, %add3A_64 : i32
      %mul3A_66 = arith.constant 20000 : i32
      %mul3A_67 = arith.muli %add3A_65, %mul3A_66 : i32
      %dma_wait3A_68 = tpu.memref_slice %arg3[%mul3A_67] : memref<320000xi32, #tpu.memory_space<hbm>> -> memref<20000xi32, #tpu.memory_space<hbm>>
      %dma_wait3A_69 = tpu.memref_slice %arg3[%mul3A_67] : memref<320000xi32, #tpu.memory_space<hbm>> -> memref<20000xi32, #tpu.memory_space<hbm>>
      tpu.wait_dma2 semaphore(%arg10 : memref<!tpu.dma_semaphore, #tpu.memory_space<semaphore_mem>>) src(%dma_wait3A_69 : memref<20000xi32, #tpu.memory_space<hbm>>) dst(%arg7 : memref<20000xi32, #tpu.memory_space<vmem>>)
      %add3A_70 = arith.constant 1 : i32
      %add3A_71 = arith.addi %add3A_65, %add3A_70 : i32
      %lt3A = arith.constant 16 : i32
      %lt3A_72 = arith.cmpi slt, %add3A_71, %lt3A : i32
      %convert_element_type3A = arith.extui %lt3A_72 : i1 to i32
      %cond3A = arith.constant 0 : i32
      %cond3A_73 = arith.cmpi ne, %convert_element_type3A, %cond3A : i32
      scf.if %cond3A_73 {
        %add3A_95 = arith.constant 1 : i32
        %add3A_96 = arith.addi %add3A_65, %add3A_95 : i32
        %mul3A_97 = arith.constant 20000 : i32
        %mul3A_98 = arith.muli %add3A_96, %mul3A_97 : i32
        %dma_start3A_99 = tpu.memref_slice %arg3[%mul3A_98] : memref<320000xi32, #tpu.memory_space<hbm>> -> memref<20000xi32, #tpu.memory_space<hbm>>
        %dma_start3A_100 = tpu.memref_slice %arg3[%mul3A_98] : memref<320000xi32, #tpu.memory_space<hbm>> -> memref<20000xi32, #tpu.memory_space<hbm>>
        tpu.enqueue_dma source(%dma_start3A_100 : memref<20000xi32, #tpu.memory_space<hbm>>) target(%arg8 : memref<20000xi32, #tpu.memory_space<vmem>>) target_semaphore(%arg11 : memref<!tpu.dma_semaphore, #tpu.memory_space<semaphore_mem>>)
      } else {
      }
      %parallel_loop3A = arith.constant 0 : i32
      %parallel_loop3A_74 = arith.constant 1250 : i32
      %parallel_loop3A_75 = arith.constant 1 : i32
      scf.for %parallel_loop3A_95 = %parallel_loop3A to %parallel_loop3A_74 step %parallel_loop3A_75  : i32 {
        %parallel_loop3A_96 = arith.constant 16 : i32
        %parallel_loop3A_97 = arith.muli %parallel_loop3A_95, %parallel_loop3A_96 : i32
        %parallel_loop3A_98 = arith.index_cast %parallel_loop3A_97 : i32 to index
        %parallel_loop3A_99 = tpu.vector_load %arg7[%parallel_loop3A_98] {strides = array<i32>} : memref<20000xi32, #tpu.memory_space<vmem>>, vector<16xi32>,
        %parallel_loop3A_100 = arith.constant 65535 : i32
        %parallel_loop3A_101 = vector.broadcast %parallel_loop3A_100 : i32 to vector<16xi32>
        %parallel_loop3A_102 = arith.andi %parallel_loop3A_99, %parallel_loop3A_101 : vector<16xi32>
        %parallel_loop3A_103 = arith.constant 16 : i32
        %parallel_loop3A_104 = vector.broadcast %parallel_loop3A_103 : i32 to vector<16xi32>
        %parallel_loop3A_105 = arith.shrui %parallel_loop3A_99, %parallel_loop3A_104 : vector<16xi32>
        %parallel_loop3A_106 = arith.addi %parallel_loop3A_102, %broadcast_in_dim3A_46 : vector<16xi32>
        %parallel_loop3A_107 = tpu.vector_load_idx %arg5[%parallel_loop3A_106] : memref<40000xf32, #tpu.memory_space<vmem>>[vector<16xi32>], vector<16xf32>,
        %parallel_loop3A_108 = arith.addi %parallel_loop3A_105, %broadcast_in_dim3A_46 : vector<16xi32>
        tpu.vector_store_idx %arg6[%parallel_loop3A_108], %parallel_loop3A_107 {add = true} : memref<40000xf32, #tpu.memory_space<vmem>>[vector<16xi32>], vector<16xf32>,
        %parallel_loop3A_109 = arith.addi %parallel_loop3A_102, %broadcast_in_dim3A_48 : vector<16xi32>
        %parallel_loop3A_110 = tpu.vector_load_idx %arg5[%parallel_loop3A_109] : memref<40000xf32, #tpu.memory_space<vmem>>[vector<16xi32>], vector<16xf32>,
        %parallel_loop3A_111 = arith.addi %parallel_loop3A_105, %broadcast_in_dim3A_48 : vector<16xi32>
        tpu.vector_store_idx %arg6[%parallel_loop3A_111], %parallel_loop3A_110 {add = true} : memref<40000xf32, #tpu.memory_space<vmem>>[vector<16xi32>], vector<16xf32>,
        %parallel_loop3A_112 = arith.addi %parallel_loop3A_102, %broadcast_in_dim3A_50 : vector<16xi32>
        %parallel_loop3A_113 = tpu.vector_load_idx %arg5[%parallel_loop3A_112] : memref<40000xf32, #tpu.memory_space<vmem>>[vector<16xi32>], vector<16xf32>,
        %parallel_loop3A_114 = arith.addi %parallel_loop3A_105, %broadcast_in_dim3A_50 : vector<16xi32>
        tpu.vector_store_idx %arg6[%parallel_loop3A_114], %parallel_loop3A_113 {add = true} : memref<40000xf32, #tpu.memory_space<vmem>>[vector<16xi32>], vector<16xf32>,
        %parallel_loop3A_115 = arith.addi %parallel_loop3A_102, %broadcast_in_dim3A_52 : vector<16xi32>
        %parallel_loop3A_116 = tpu.vector_load_idx %arg5[%parallel_loop3A_115] : memref<40000xf32, #tpu.memory_space<vmem>>[vector<16xi32>], vector<16xf32>,
        %parallel_loop3A_117 = arith.addi %parallel_loop3A_105, %broadcast_in_dim3A_52 : vector<16xi32>
        tpu.vector_store_idx %arg6[%parallel_loop3A_117], %parallel_loop3A_116 {add = true} : memref<40000xf32, #tpu.memory_space<vmem>>[vector<16xi32>], vector<16xf32>,
      } {sc.loop_unroll_factor = 8 : i64, sc.parallel_access}
      %mul3A_76 = arith.constant 2 : i32
      %mul3A_77 = arith.muli %scan3A_60, %mul3A_76 : i32
      %add3A_78 = arith.constant 1 : i32
      %add3A_79 = arith.addi %mul3A_77, %add3A_78 : i32
      %mul3A_80 = arith.constant 20000 : i32
      %mul3A_81 = arith.muli %add3A_79, %mul3A_80 : i32
      %dma_wait3A_82 = tpu.memref_slice %arg3[%mul3A_81] : memref<320000xi32, #tpu.memory_space<hbm>> -> memref<20000xi32, #tpu.memory_space<hbm>>
      %dma_wait3A_83 = tpu.memref_slice %arg3[%mul3A_81] : memref<320000xi32, #tpu.memory_space<hbm>> -> memref<20000xi32, #tpu.memory_space<hbm>>
      tpu.wait_dma2 semaphore(%arg11 : memref<!tpu.dma_semaphore, #tpu.memory_space<semaphore_mem>>) src(%dma_wait3A_83 : memref<20000xi32, #tpu.memory_space<hbm>>) dst(%arg8 : memref<20000xi32, #tpu.memory_space<vmem>>)
      %add3A_84 = arith.constant 1 : i32
      %add3A_85 = arith.addi %add3A_79, %add3A_84 : i32
      %lt3A_86 = arith.constant 16 : i32
      %lt3A_87 = arith.cmpi slt, %add3A_85, %lt3A_86 : i32
      %convert_element_type3A_88 = arith.extui %lt3A_87 : i1 to i32
      %cond3A_89 = arith.constant 0 : i32
      %cond3A_90 = arith.cmpi ne, %convert_element_type3A_88, %cond3A_89 : i32
      scf.if %cond3A_90 {
        %add3A_95 = arith.constant 1 : i32
        %add3A_96 = arith.addi %add3A_79, %add3A_95 : i32
        %mul3A_97 = arith.constant 20000 : i32
        %mul3A_98 = arith.muli %add3A_96, %mul3A_97 : i32
        %dma_start3A_99 = tpu.memref_slice %arg3[%mul3A_98] : memref<320000xi32, #tpu.memory_space<hbm>> -> memref<20000xi32, #tpu.memory_space<hbm>>
        %dma_start3A_100 = tpu.memref_slice %arg3[%mul3A_98] : memref<320000xi32, #tpu.memory_space<hbm>> -> memref<20000xi32, #tpu.memory_space<hbm>>
        tpu.enqueue_dma source(%dma_start3A_100 : memref<20000xi32, #tpu.memory_space<hbm>>) target(%arg7 : memref<20000xi32, #tpu.memory_space<vmem>>) target_semaphore(%arg10 : memref<!tpu.dma_semaphore, #tpu.memory_space<semaphore_mem>>)
      } else {
      }
      %parallel_loop3A_91 = arith.constant 0 : i32
      %parallel_loop3A_92 = arith.constant 1250 : i32
      %parallel_loop3A_93 = arith.constant 1 : i32
      scf.for %parallel_loop3A_95 = %parallel_loop3A_91 to %parallel_loop3A_92 step %parallel_loop3A_93  : i32 {
        %parallel_loop3A_96 = arith.constant 16 : i32
        %parallel_loop3A_97 = arith.muli %parallel_loop3A_95, %parallel_loop3A_96 : i32
        %parallel_loop3A_98 = arith.index_cast %parallel_loop3A_97 : i32 to index
        %parallel_loop3A_99 = tpu.vector_load %arg8[%parallel_loop3A_98] {strides = array<i32>} : memref<20000xi32, #tpu.memory_space<vmem>>, vector<16xi32>,
        %parallel_loop3A_100 = arith.constant 65535 : i32
        %parallel_loop3A_101 = vector.broadcast %parallel_loop3A_100 : i32 to vector<16xi32>
        %parallel_loop3A_102 = arith.andi %parallel_loop3A_99, %parallel_loop3A_101 : vector<16xi32>
        %parallel_loop3A_103 = arith.constant 16 : i32
        %parallel_loop3A_104 = vector.broadcast %parallel_loop3A_103 : i32 to vector<16xi32>
        %parallel_loop3A_105 = arith.shrui %parallel_loop3A_99, %parallel_loop3A_104 : vector<16xi32>
        %parallel_loop3A_106 = arith.addi %parallel_loop3A_102, %broadcast_in_dim3A_46 : vector<16xi32>
        %parallel_loop3A_107 = tpu.vector_load_idx %arg5[%parallel_loop3A_106] : memref<40000xf32, #tpu.memory_space<vmem>>[vector<16xi32>], vector<16xf32>,
        %parallel_loop3A_108 = arith.addi %parallel_loop3A_105, %broadcast_in_dim3A_46 : vector<16xi32>
        tpu.vector_store_idx %arg6[%parallel_loop3A_108], %parallel_loop3A_107 {add = true} : memref<40000xf32, #tpu.memory_space<vmem>>[vector<16xi32>], vector<16xf32>,
        %parallel_loop3A_109 = arith.addi %parallel_loop3A_102, %broadcast_in_dim3A_48 : vector<16xi32>
        %parallel_loop3A_110 = tpu.vector_load_idx %arg5[%parallel_loop3A_109] : memref<40000xf32, #tpu.memory_space<vmem>>[vector<16xi32>], vector<16xf32>,
        %parallel_loop3A_111 = arith.addi %parallel_loop3A_105, %broadcast_in_dim3A_48 : vector<16xi32>
        tpu.vector_store_idx %arg6[%parallel_loop3A_111], %parallel_loop3A_110 {add = true} : memref<40000xf32, #tpu.memory_space<vmem>>[vector<16xi32>], vector<16xf32>,
        %parallel_loop3A_112 = arith.addi %parallel_loop3A_102, %broadcast_in_dim3A_50 : vector<16xi32>
        %parallel_loop3A_113 = tpu.vector_load_idx %arg5[%parallel_loop3A_112] : memref<40000xf32, #tpu.memory_space<vmem>>[vector<16xi32>], vector<16xf32>,
        %parallel_loop3A_114 = arith.addi %parallel_loop3A_105, %broadcast_in_dim3A_50 : vector<16xi32>
        tpu.vector_store_idx %arg6[%parallel_loop3A_114], %parallel_loop3A_113 {add = true} : memref<40000xf32, #tpu.memory_space<vmem>>[vector<16xi32>], vector<16xf32>,
        %parallel_loop3A_115 = arith.addi %parallel_loop3A_102, %broadcast_in_dim3A_52 : vector<16xi32>
        %parallel_loop3A_116 = tpu.vector_load_idx %arg5[%parallel_loop3A_115] : memref<40000xf32, #tpu.memory_space<vmem>>[vector<16xi32>], vector<16xf32>,
        %parallel_loop3A_117 = arith.addi %parallel_loop3A_105, %broadcast_in_dim3A_52 : vector<16xi32>
        tpu.vector_store_idx %arg6[%parallel_loop3A_117], %parallel_loop3A_116 {add = true} : memref<40000xf32, #tpu.memory_space<vmem>>[vector<16xi32>], vector<16xf32>,
      } {sc.loop_unroll_factor = 8 : i64, sc.parallel_access}
      %scan3A_94 = arith.constant 0 : i32
      scf.yield %scan3A_94 : i32
    }
    %scan3A_59 = arith.constant 8 : i32
    "tpu.region"() ({
      %run_scoped3A = tpu.sem_alloc : memref<!tpu.dma_semaphore, #tpu.memory_space<semaphore_mem>>
      %dma_start3A_60 = tpu.memref_slice %arg4[%mul3A_4] : memref<1280000xf32, #tpu.memory_space<hbm>> -> memref<40000xf32, #tpu.memory_space<hbm>>
      %dma_start3A_61 = tpu.memref_slice %arg4[%mul3A_4] : memref<1280000xf32, #tpu.memory_space<hbm>> -> memref<40000xf32, #tpu.memory_space<hbm>>
      tpu.enqueue_dma source(%arg6 : memref<40000xf32, #tpu.memory_space<vmem>>) target(%dma_start3A_61 : memref<40000xf32, #tpu.memory_space<hbm>>) target_semaphore(%run_scoped3A : memref<!tpu.dma_semaphore, #tpu.memory_space<semaphore_mem>>)
      %dma_wait3A_62 = tpu.memref_slice %arg4[%mul3A_4] : memref<1280000xf32, #tpu.memory_space<hbm>> -> memref<40000xf32, #tpu.memory_space<hbm>>
      %dma_wait3A_63 = tpu.memref_slice %arg4[%mul3A_4] : memref<1280000xf32, #tpu.memory_space<hbm>> -> memref<40000xf32, #tpu.memory_space<hbm>>
      tpu.wait_dma2 semaphore(%run_scoped3A : memref<!tpu.dma_semaphore, #tpu.memory_space<semaphore_mem>>) src(%arg6 : memref<40000xf32, #tpu.memory_space<vmem>>) dst(%dma_wait3A_63 : memref<40000xf32, #tpu.memory_space<hbm>>)
      tpu.yield
    }) : () -> ()
    return
  }
}

#map = affine_map<(d0, d1) -> (0)>
#map1 = affine_map<(d0, d1) -> (0, 0)>
module attributes {stable_mosaic.version = 14 : i64} {
  func.func @_deg_kernel(%arg0: i32, %arg1: i32, %arg2: memref<320000xi32, #tpu.memory_space<hbm>>, %arg3: memref<32x10000xf32, #tpu.memory_space<hbm>>, %arg4: memref<10000xf32, #tpu.memory_space<vmem>>, %arg5: memref<10000xi32, #tpu.memory_space<vmem>>, %arg6: memref<!tpu.dma_semaphore, #tpu.memory_space<semaphore_mem>>) attributes {dimension_semantics = [#tpu.dimension_semantics<core_parallel>, #tpu.dimension_semantics<subcore_parallel>], iteration_bounds = array<i64: 2, 16>, scalar_prefetch = 0 : i64, scratch_operands = 3 : i64, tpu.core_type = #tpu.core_type<sc_vector_subcore>, window_params = [{transform_indices = #map}, {transform_indices = #map1}]} {
    %mul3A = arith.constant 2 : i32
    %mul3A_0 = arith.muli %arg1, %mul3A : i32
    %add3A = arith.addi %mul3A_0, %arg0 : i32
    %broadcast_in_dim3A = arith.constant 0.000000e+00 : f32
    %broadcast_in_dim3A_1 = vector.broadcast %broadcast_in_dim3A : f32 to vector<16xf32>
    %broadcast_in_dim3A_2 = arith.constant 1.000000e+00 : f32
    %broadcast_in_dim3A_3 = vector.broadcast %broadcast_in_dim3A_2 : f32 to vector<16xf32>
    %mul3A_4 = arith.constant 10000 : i32
    %mul3A_5 = arith.muli %add3A, %mul3A_4 : i32
    %dma_start3A = tpu.memref_slice %arg2[%mul3A_5] : memref<320000xi32, #tpu.memory_space<hbm>> -> memref<10000xi32, #tpu.memory_space<hbm>>
    %dma_start3A_6 = tpu.memref_slice %arg2[%mul3A_5] : memref<320000xi32, #tpu.memory_space<hbm>> -> memref<10000xi32, #tpu.memory_space<hbm>>
    tpu.enqueue_dma source(%dma_start3A_6 : memref<10000xi32, #tpu.memory_space<hbm>>) target(%arg5 : memref<10000xi32, #tpu.memory_space<vmem>>) target_semaphore(%arg6 : memref<!tpu.dma_semaphore, #tpu.memory_space<semaphore_mem>>)
    %scan3A = arith.constant 0 : i32
    %scan3A_7 = arith.constant 0 : i32
    %scan3A_8 = arith.constant 624 : i32
    %scan3A_9 = arith.addi %scan3A_7, %scan3A_8 : i32
    %scan3A_10 = arith.constant 8 : i32
    %scan3A_11 = scf.for %scan3A_22 = %scan3A_7 to %scan3A_9 step %scan3A_10 iter_args(%scan3A_23 = %scan3A) -> (i32)  : i32 {
      %mul3A_24 = arith.constant 16 : i32
      %mul3A_25 = arith.muli %scan3A_22, %mul3A_24 : i32
      %swap3A_26 = arith.index_cast %mul3A_25 : i32 to index
      %swap3A_27 = tpu.vector_load %arg4[%swap3A_26] {strides = array<i32>} : memref<10000xf32, #tpu.memory_space<vmem>>, vector<16xf32>,
      tpu.vector_store %arg4[%swap3A_26], %broadcast_in_dim3A_1 {strides = array<i32>} : memref<10000xf32, #tpu.memory_space<vmem>>, vector<16xf32>,
      %scan3A_28 = arith.constant 0 : i32
      %scan3A_29 = arith.constant 1 : i32
      %scan3A_30 = arith.addi %scan3A_22, %scan3A_29 : i32
      %mul3A_31 = arith.constant 16 : i32
      %mul3A_32 = arith.muli %scan3A_30, %mul3A_31 : i32
      %swap3A_33 = arith.index_cast %mul3A_32 : i32 to index
      %swap3A_34 = tpu.vector_load %arg4[%swap3A_33] {strides = array<i32>} : memref<10000xf32, #tpu.memory_space<vmem>>, vector<16xf32>,
      tpu.vector_store %arg4[%swap3A_33], %broadcast_in_dim3A_1 {strides = array<i32>} : memref<10000xf32, #tpu.memory_space<vmem>>, vector<16xf32>,
      %scan3A_35 = arith.constant 0 : i32
      %scan3A_36 = arith.constant 2 : i32
      %scan3A_37 = arith.addi %scan3A_22, %scan3A_36 : i32
      %mul3A_38 = arith.constant 16 : i32
      %mul3A_39 = arith.muli %scan3A_37, %mul3A_38 : i32
      %swap3A_40 = arith.index_cast %mul3A_39 : i32 to index
      %swap3A_41 = tpu.vector_load %arg4[%swap3A_40] {strides = array<i32>} : memref<10000xf32, #tpu.memory_space<vmem>>, vector<16xf32>,
      tpu.vector_store %arg4[%swap3A_40], %broadcast_in_dim3A_1 {strides = array<i32>} : memref<10000xf32, #tpu.memory_space<vmem>>, vector<16xf32>,
      %scan3A_42 = arith.constant 0 : i32
      %scan3A_43 = arith.constant 3 : i32
      %scan3A_44 = arith.addi %scan3A_22, %scan3A_43 : i32
      %mul3A_45 = arith.constant 16 : i32
      %mul3A_46 = arith.muli %scan3A_44, %mul3A_45 : i32
      %swap3A_47 = arith.index_cast %mul3A_46 : i32 to index
      %swap3A_48 = tpu.vector_load %arg4[%swap3A_47] {strides = array<i32>} : memref<10000xf32, #tpu.memory_space<vmem>>, vector<16xf32>,
      tpu.vector_store %arg4[%swap3A_47], %broadcast_in_dim3A_1 {strides = array<i32>} : memref<10000xf32, #tpu.memory_space<vmem>>, vector<16xf32>,
      %scan3A_49 = arith.constant 0 : i32
      %scan3A_50 = arith.constant 4 : i32
      %scan3A_51 = arith.addi %scan3A_22, %scan3A_50 : i32
      %mul3A_52 = arith.constant 16 : i32
      %mul3A_53 = arith.muli %scan3A_51, %mul3A_52 : i32
      %swap3A_54 = arith.index_cast %mul3A_53 : i32 to index
      %swap3A_55 = tpu.vector_load %arg4[%swap3A_54] {strides = array<i32>} : memref<10000xf32, #tpu.memory_space<vmem>>, vector<16xf32>,
      tpu.vector_store %arg4[%swap3A_54], %broadcast_in_dim3A_1 {strides = array<i32>} : memref<10000xf32, #tpu.memory_space<vmem>>, vector<16xf32>,
      %scan3A_56 = arith.constant 0 : i32
      %scan3A_57 = arith.constant 5 : i32
      %scan3A_58 = arith.addi %scan3A_22, %scan3A_57 : i32
      %mul3A_59 = arith.constant 16 : i32
      %mul3A_60 = arith.muli %scan3A_58, %mul3A_59 : i32
      %swap3A_61 = arith.index_cast %mul3A_60 : i32 to index
      %swap3A_62 = tpu.vector_load %arg4[%swap3A_61] {strides = array<i32>} : memref<10000xf32, #tpu.memory_space<vmem>>, vector<16xf32>,
      tpu.vector_store %arg4[%swap3A_61], %broadcast_in_dim3A_1 {strides = array<i32>} : memref<10000xf32, #tpu.memory_space<vmem>>, vector<16xf32>,
      %scan3A_63 = arith.constant 0 : i32
      %scan3A_64 = arith.constant 6 : i32
      %scan3A_65 = arith.addi %scan3A_22, %scan3A_64 : i32
      %mul3A_66 = arith.constant 16 : i32
      %mul3A_67 = arith.muli %scan3A_65, %mul3A_66 : i32
      %swap3A_68 = arith.index_cast %mul3A_67 : i32 to index
      %swap3A_69 = tpu.vector_load %arg4[%swap3A_68] {strides = array<i32>} : memref<10000xf32, #tpu.memory_space<vmem>>, vector<16xf32>,
      tpu.vector_store %arg4[%swap3A_68], %broadcast_in_dim3A_1 {strides = array<i32>} : memref<10000xf32, #tpu.memory_space<vmem>>, vector<16xf32>,
      %scan3A_70 = arith.constant 0 : i32
      %scan3A_71 = arith.constant 7 : i32
      %scan3A_72 = arith.addi %scan3A_22, %scan3A_71 : i32
      %mul3A_73 = arith.constant 16 : i32
      %mul3A_74 = arith.muli %scan3A_72, %mul3A_73 : i32
      %swap3A_75 = arith.index_cast %mul3A_74 : i32 to index
      %swap3A_76 = tpu.vector_load %arg4[%swap3A_75] {strides = array<i32>} : memref<10000xf32, #tpu.memory_space<vmem>>, vector<16xf32>,
      tpu.vector_store %arg4[%swap3A_75], %broadcast_in_dim3A_1 {strides = array<i32>} : memref<10000xf32, #tpu.memory_space<vmem>>, vector<16xf32>,
      %scan3A_77 = arith.constant 0 : i32
      scf.yield %scan3A_77 : i32
    }
    %scan3A_12 = arith.constant 624 : i32
    %scan3A_13 = arith.addi %scan3A_7, %scan3A_12 : i32
    %mul3A_14 = arith.constant 16 : i32
    %mul3A_15 = arith.muli %scan3A_13, %mul3A_14 : i32
    %swap3A = arith.index_cast %mul3A_15 : i32 to index
    %swap3A_16 = tpu.vector_load %arg4[%swap3A] {strides = array<i32>} : memref<10000xf32, #tpu.memory_space<vmem>>, vector<16xf32>,
    tpu.vector_store %arg4[%swap3A], %broadcast_in_dim3A_1 {strides = array<i32>} : memref<10000xf32, #tpu.memory_space<vmem>>, vector<16xf32>,
    %scan3A_17 = arith.constant 0 : i32
    %scan3A_18 = arith.constant 625 : i32
    %dma_wait3A = tpu.memref_slice %arg2[%mul3A_5] : memref<320000xi32, #tpu.memory_space<hbm>> -> memref<10000xi32, #tpu.memory_space<hbm>>
    %dma_wait3A_19 = tpu.memref_slice %arg2[%mul3A_5] : memref<320000xi32, #tpu.memory_space<hbm>> -> memref<10000xi32, #tpu.memory_space<hbm>>
    tpu.wait_dma2 semaphore(%arg6 : memref<!tpu.dma_semaphore, #tpu.memory_space<semaphore_mem>>) src(%dma_wait3A_19 : memref<10000xi32, #tpu.memory_space<hbm>>) dst(%arg5 : memref<10000xi32, #tpu.memory_space<vmem>>)
    %parallel_loop3A = arith.constant 0 : i32
    %parallel_loop3A_20 = arith.constant 625 : i32
    %parallel_loop3A_21 = arith.constant 1 : i32
    scf.for %parallel_loop3A_22 = %parallel_loop3A to %parallel_loop3A_20 step %parallel_loop3A_21  : i32 {
      %parallel_loop3A_23 = arith.constant 16 : i32
      %parallel_loop3A_24 = arith.muli %parallel_loop3A_22, %parallel_loop3A_23 : i32
      %parallel_loop3A_25 = arith.index_cast %parallel_loop3A_24 : i32 to index
      %parallel_loop3A_26 = tpu.vector_load %arg5[%parallel_loop3A_25] {strides = array<i32>} : memref<10000xi32, #tpu.memory_space<vmem>>, vector<16xi32>,
      tpu.vector_store_idx %arg4[%parallel_loop3A_26], %broadcast_in_dim3A_3 {add = true} : memref<10000xf32, #tpu.memory_space<vmem>>[vector<16xi32>], vector<16xf32>,
    } {sc.loop_unroll_factor = 8 : i64, sc.parallel_access}
    "tpu.region"() ({
      %run_scoped3A = tpu.sem_alloc : memref<!tpu.dma_semaphore, #tpu.memory_space<semaphore_mem>>
      %dma_start3A_22 = arith.constant 0 : i32
      %dma_start3A_23 = tpu.memref_slice %arg3[%add3A, %dma_start3A_22] : memref<32x10000xf32, #tpu.memory_space<hbm>> -> memref<1x10000xf32, #tpu.memory_space<hbm>>
      %dma_start3A_24 = tpu.memref_squeeze %dma_start3A_23 : memref<1x10000xf32, #tpu.memory_space<hbm>> -> memref<10000xf32, #tpu.memory_space<hbm>>
      %dma_start3A_25 = arith.constant 0 : i32
      %dma_start3A_26 = tpu.memref_slice %arg3[%add3A, %dma_start3A_25] : memref<32x10000xf32, #tpu.memory_space<hbm>> -> memref<1x10000xf32, #tpu.memory_space<hbm>>
      %dma_start3A_27 = tpu.memref_squeeze %dma_start3A_26 : memref<1x10000xf32, #tpu.memory_space<hbm>> -> memref<10000xf32, #tpu.memory_space<hbm>>
      tpu.enqueue_dma source(%arg4 : memref<10000xf32, #tpu.memory_space<vmem>>) target(%dma_start3A_27 : memref<10000xf32, #tpu.memory_space<hbm>>) target_semaphore(%run_scoped3A : memref<!tpu.dma_semaphore, #tpu.memory_space<semaphore_mem>>)
      %dma_wait3A_28 = arith.constant 0 : i32
      %dma_wait3A_29 = tpu.memref_slice %arg3[%add3A, %dma_wait3A_28] : memref<32x10000xf32, #tpu.memory_space<hbm>> -> memref<1x10000xf32, #tpu.memory_space<hbm>>
      %dma_wait3A_30 = tpu.memref_squeeze %dma_wait3A_29 : memref<1x10000xf32, #tpu.memory_space<hbm>> -> memref<10000xf32, #tpu.memory_space<hbm>>
      %dma_wait3A_31 = arith.constant 0 : i32
      %dma_wait3A_32 = tpu.memref_slice %arg3[%add3A, %dma_wait3A_31] : memref<32x10000xf32, #tpu.memory_space<hbm>> -> memref<1x10000xf32, #tpu.memory_space<hbm>>
      %dma_wait3A_33 = tpu.memref_squeeze %dma_wait3A_32 : memref<1x10000xf32, #tpu.memory_space<hbm>> -> memref<10000xf32, #tpu.memory_space<hbm>>
      tpu.wait_dma2 semaphore(%run_scoped3A : memref<!tpu.dma_semaphore, #tpu.memory_space<semaphore_mem>>) src(%arg4 : memref<10000xf32, #tpu.memory_space<vmem>>) dst(%dma_wait3A_33 : memref<10000xf32, #tpu.memory_space<hbm>>)
      tpu.yield
    }) : () -> ()
    return
  }
}

#map = affine_map<(d0, d1) -> (0)>
module attributes {stable_mosaic.version = 14 : i64} {
  func.func @_scatter_kernel(%arg0: i32, %arg1: i32, %arg2: memref<1280000xf32, #tpu.memory_space<hbm>>, %arg3: memref<320000xi32, #tpu.memory_space<hbm>>, %arg4: memref<1280000xf32, #tpu.memory_space<hbm>>, %arg5: memref<40000xf32, #tpu.memory_space<vmem>>, %arg6: memref<40000xf32, #tpu.memory_space<vmem>>, %arg7: memref<20000xi32, #tpu.memory_space<vmem>>, %arg8: memref<20000xi32, #tpu.memory_space<vmem>>, %arg9: memref<!tpu.dma_semaphore, #tpu.memory_space<semaphore_mem>>, %arg10: memref<!tpu.dma_semaphore, #tpu.memory_space<semaphore_mem>>, %arg11: memref<!tpu.dma_semaphore, #tpu.memory_space<semaphore_mem>>) attributes {dimension_semantics = [#tpu.dimension_semantics<core_parallel>, #tpu.dimension_semantics<subcore_parallel>], iteration_bounds = array<i64: 2, 16>, scalar_prefetch = 0 : i64, scratch_operands = 7 : i64, tpu.core_type = #tpu.core_type<sc_vector_subcore>, window_params = [{transform_indices = #map}, {transform_indices = #map}, {transform_indices = #map}]} {
    %mul3A = arith.constant 2 : i32
    %mul3A_0 = arith.muli %arg1, %mul3A : i32
    %add3A = arith.addi %mul3A_0, %arg0 : i32
    %mul3A_1 = arith.constant 4 : i32
    %mul3A_2 = arith.muli %add3A, %mul3A_1 : i32
    %mul3A_3 = arith.constant 10000 : i32
    %mul3A_4 = arith.muli %mul3A_2, %mul3A_3 : i32
    %dma_start3A = tpu.memref_slice %arg2[%mul3A_4] : memref<1280000xf32, #tpu.memory_space<hbm>> -> memref<40000xf32, #tpu.memory_space<hbm>>
    %dma_start3A_5 = tpu.memref_slice %arg2[%mul3A_4] : memref<1280000xf32, #tpu.memory_space<hbm>> -> memref<40000xf32, #tpu.memory_space<hbm>>
    tpu.enqueue_dma source(%dma_start3A_5 : memref<40000xf32, #tpu.memory_space<hbm>>) target(%arg5 : memref<40000xf32, #tpu.memory_space<vmem>>) target_semaphore(%arg9 : memref<!tpu.dma_semaphore, #tpu.memory_space<semaphore_mem>>)
    %dma_start3A_6 = arith.constant 0 : i32
    %dma_start3A_7 = tpu.memref_slice %arg3[%dma_start3A_6] : memref<320000xi32, #tpu.memory_space<hbm>> -> memref<20000xi32, #tpu.memory_space<hbm>>
    %dma_start3A_8 = arith.constant 0 : i32
    %dma_start3A_9 = tpu.memref_slice %arg3[%dma_start3A_8] : memref<320000xi32, #tpu.memory_space<hbm>> -> memref<20000xi32, #tpu.memory_space<hbm>>
    tpu.enqueue_dma source(%dma_start3A_9 : memref<20000xi32, #tpu.memory_space<hbm>>) target(%arg7 : memref<20000xi32, #tpu.memory_space<vmem>>) target_semaphore(%arg10 : memref<!tpu.dma_semaphore, #tpu.memory_space<semaphore_mem>>)
    %broadcast_in_dim3A = arith.constant 0.000000e+00 : f32
    %broadcast_in_dim3A_10 = vector.broadcast %broadcast_in_dim3A : f32 to vector<16xf32>
    %scan3A = arith.constant 0 : i32
    %scan3A_11 = arith.constant 0 : i32
    %scan3A_12 = arith.constant 2496 : i32
    %scan3A_13 = arith.addi %scan3A_11, %scan3A_12 : i32
    %scan3A_14 = arith.constant 8 : i32
    %scan3A_15 = scf.for %scan3A_60 = %scan3A_11 to %scan3A_13 step %scan3A_14 iter_args(%scan3A_61 = %scan3A) -> (i32)  : i32 {
      %mul3A_62 = arith.constant 16 : i32
      %mul3A_63 = arith.muli %scan3A_60, %mul3A_62 : i32
      %swap3A_64 = arith.index_cast %mul3A_63 : i32 to index
      %swap3A_65 = tpu.vector_load %arg6[%swap3A_64] {strides = array<i32>} : memref<40000xf32, #tpu.memory_space<vmem>>, vector<16xf32>,
      tpu.vector_store %arg6[%swap3A_64], %broadcast_in_dim3A_10 {strides = array<i32>} : memref<40000xf32, #tpu.memory_space<vmem>>, vector<16xf32>,
      %scan3A_66 = arith.constant 0 : i32
      %scan3A_67 = arith.constant 1 : i32
      %scan3A_68 = arith.addi %scan3A_60, %scan3A_67 : i32
      %mul3A_69 = arith.constant 16 : i32
      %mul3A_70 = arith.muli %scan3A_68, %mul3A_69 : i32
      %swap3A_71 = arith.index_cast %mul3A_70 : i32 to index
      %swap3A_72 = tpu.vector_load %arg6[%swap3A_71] {strides = array<i32>} : memref<40000xf32, #tpu.memory_space<vmem>>, vector<16xf32>,
      tpu.vector_store %arg6[%swap3A_71], %broadcast_in_dim3A_10 {strides = array<i32>} : memref<40000xf32, #tpu.memory_space<vmem>>, vector<16xf32>,
      %scan3A_73 = arith.constant 0 : i32
      %scan3A_74 = arith.constant 2 : i32
      %scan3A_75 = arith.addi %scan3A_60, %scan3A_74 : i32
      %mul3A_76 = arith.constant 16 : i32
      %mul3A_77 = arith.muli %scan3A_75, %mul3A_76 : i32
      %swap3A_78 = arith.index_cast %mul3A_77 : i32 to index
      %swap3A_79 = tpu.vector_load %arg6[%swap3A_78] {strides = array<i32>} : memref<40000xf32, #tpu.memory_space<vmem>>, vector<16xf32>,
      tpu.vector_store %arg6[%swap3A_78], %broadcast_in_dim3A_10 {strides = array<i32>} : memref<40000xf32, #tpu.memory_space<vmem>>, vector<16xf32>,
      %scan3A_80 = arith.constant 0 : i32
      %scan3A_81 = arith.constant 3 : i32
      %scan3A_82 = arith.addi %scan3A_60, %scan3A_81 : i32
      %mul3A_83 = arith.constant 16 : i32
      %mul3A_84 = arith.muli %scan3A_82, %mul3A_83 : i32
      %swap3A_85 = arith.index_cast %mul3A_84 : i32 to index
      %swap3A_86 = tpu.vector_load %arg6[%swap3A_85] {strides = array<i32>} : memref<40000xf32, #tpu.memory_space<vmem>>, vector<16xf32>,
      tpu.vector_store %arg6[%swap3A_85], %broadcast_in_dim3A_10 {strides = array<i32>} : memref<40000xf32, #tpu.memory_space<vmem>>, vector<16xf32>,
      %scan3A_87 = arith.constant 0 : i32
      %scan3A_88 = arith.constant 4 : i32
      %scan3A_89 = arith.addi %scan3A_60, %scan3A_88 : i32
      %mul3A_90 = arith.constant 16 : i32
      %mul3A_91 = arith.muli %scan3A_89, %mul3A_90 : i32
      %swap3A_92 = arith.index_cast %mul3A_91 : i32 to index
      %swap3A_93 = tpu.vector_load %arg6[%swap3A_92] {strides = array<i32>} : memref<40000xf32, #tpu.memory_space<vmem>>, vector<16xf32>,
      tpu.vector_store %arg6[%swap3A_92], %broadcast_in_dim3A_10 {strides = array<i32>} : memref<40000xf32, #tpu.memory_space<vmem>>, vector<16xf32>,
      %scan3A_94 = arith.constant 0 : i32
      %scan3A_95 = arith.constant 5 : i32
      %scan3A_96 = arith.addi %scan3A_60, %scan3A_95 : i32
      %mul3A_97 = arith.constant 16 : i32
      %mul3A_98 = arith.muli %scan3A_96, %mul3A_97 : i32
      %swap3A_99 = arith.index_cast %mul3A_98 : i32 to index
      %swap3A_100 = tpu.vector_load %arg6[%swap3A_99] {strides = array<i32>} : memref<40000xf32, #tpu.memory_space<vmem>>, vector<16xf32>,
      tpu.vector_store %arg6[%swap3A_99], %broadcast_in_dim3A_10 {strides = array<i32>} : memref<40000xf32, #tpu.memory_space<vmem>>, vector<16xf32>,
      %scan3A_101 = arith.constant 0 : i32
      %scan3A_102 = arith.constant 6 : i32
      %scan3A_103 = arith.addi %scan3A_60, %scan3A_102 : i32
      %mul3A_104 = arith.constant 16 : i32
      %mul3A_105 = arith.muli %scan3A_103, %mul3A_104 : i32
      %swap3A_106 = arith.index_cast %mul3A_105 : i32 to index
      %swap3A_107 = tpu.vector_load %arg6[%swap3A_106] {strides = array<i32>} : memref<40000xf32, #tpu.memory_space<vmem>>, vector<16xf32>,
      tpu.vector_store %arg6[%swap3A_106], %broadcast_in_dim3A_10 {strides = array<i32>} : memref<40000xf32, #tpu.memory_space<vmem>>, vector<16xf32>,
      %scan3A_108 = arith.constant 0 : i32
      %scan3A_109 = arith.constant 7 : i32
      %scan3A_110 = arith.addi %scan3A_60, %scan3A_109 : i32
      %mul3A_111 = arith.constant 16 : i32
      %mul3A_112 = arith.muli %scan3A_110, %mul3A_111 : i32
      %swap3A_113 = arith.index_cast %mul3A_112 : i32 to index
      %swap3A_114 = tpu.vector_load %arg6[%swap3A_113] {strides = array<i32>} : memref<40000xf32, #tpu.memory_space<vmem>>, vector<16xf32>,
      tpu.vector_store %arg6[%swap3A_113], %broadcast_in_dim3A_10 {strides = array<i32>} : memref<40000xf32, #tpu.memory_space<vmem>>, vector<16xf32>,
      %scan3A_115 = arith.constant 0 : i32
      scf.yield %scan3A_115 : i32
    }
    %scan3A_16 = arith.constant 2496 : i32
    %scan3A_17 = arith.addi %scan3A_11, %scan3A_16 : i32
    %mul3A_18 = arith.constant 16 : i32
    %mul3A_19 = arith.muli %scan3A_17, %mul3A_18 : i32
    %swap3A = arith.index_cast %mul3A_19 : i32 to index
    %swap3A_20 = tpu.vector_load %arg6[%swap3A] {strides = array<i32>} : memref<40000xf32, #tpu.memory_space<vmem>>, vector<16xf32>,
    tpu.vector_store %arg6[%swap3A], %broadcast_in_dim3A_10 {strides = array<i32>} : memref<40000xf32, #tpu.memory_space<vmem>>, vector<16xf32>,
    %scan3A_21 = arith.constant 0 : i32
    %scan3A_22 = arith.constant 2497 : i32
    %scan3A_23 = arith.addi %scan3A_11, %scan3A_22 : i32
    %mul3A_24 = arith.constant 16 : i32
    %mul3A_25 = arith.muli %scan3A_23, %mul3A_24 : i32
    %swap3A_26 = arith.index_cast %mul3A_25 : i32 to index
    %swap3A_27 = tpu.vector_load %arg6[%swap3A_26] {strides = array<i32>} : memref<40000xf32, #tpu.memory_space<vmem>>, vector<16xf32>,
    tpu.vector_store %arg6[%swap3A_26], %broadcast_in_dim3A_10 {strides = array<i32>} : memref<40000xf32, #tpu.memory_space<vmem>>, vector<16xf32>,
    %scan3A_28 = arith.constant 0 : i32
    %scan3A_29 = arith.constant 2498 : i32
    %scan3A_30 = arith.addi %scan3A_11, %scan3A_29 : i32
    %mul3A_31 = arith.constant 16 : i32
    %mul3A_32 = arith.muli %scan3A_30, %mul3A_31 : i32
    %swap3A_33 = arith.index_cast %mul3A_32 : i32 to index
    %swap3A_34 = tpu.vector_load %arg6[%swap3A_33] {strides = array<i32>} : memref<40000xf32, #tpu.memory_space<vmem>>, vector<16xf32>,
    tpu.vector_store %arg6[%swap3A_33], %broadcast_in_dim3A_10 {strides = array<i32>} : memref<40000xf32, #tpu.memory_space<vmem>>, vector<16xf32>,
    %scan3A_35 = arith.constant 0 : i32
    %scan3A_36 = arith.constant 2499 : i32
    %scan3A_37 = arith.addi %scan3A_11, %scan3A_36 : i32
    %mul3A_38 = arith.constant 16 : i32
    %mul3A_39 = arith.muli %scan3A_37, %mul3A_38 : i32
    %swap3A_40 = arith.index_cast %mul3A_39 : i32 to index
    %swap3A_41 = tpu.vector_load %arg6[%swap3A_40] {strides = array<i32>} : memref<40000xf32, #tpu.memory_space<vmem>>, vector<16xf32>,
    tpu.vector_store %arg6[%swap3A_40], %broadcast_in_dim3A_10 {strides = array<i32>} : memref<40000xf32, #tpu.memory_space<vmem>>, vector<16xf32>,
    %scan3A_42 = arith.constant 0 : i32
    %scan3A_43 = arith.constant 2500 : i32
    %dma_wait3A = tpu.memref_slice %arg2[%mul3A_4] : memref<1280000xf32, #tpu.memory_space<hbm>> -> memref<40000xf32, #tpu.memory_space<hbm>>
    %dma_wait3A_44 = tpu.memref_slice %arg2[%mul3A_4] : memref<1280000xf32, #tpu.memory_space<hbm>> -> memref<40000xf32, #tpu.memory_space<hbm>>
    tpu.wait_dma2 semaphore(%arg9 : memref<!tpu.dma_semaphore, #tpu.memory_space<semaphore_mem>>) src(%dma_wait3A_44 : memref<40000xf32, #tpu.memory_space<hbm>>) dst(%arg5 : memref<40000xf32, #tpu.memory_space<vmem>>)
    %broadcast_in_dim3A_45 = arith.constant 0 : i32
    %broadcast_in_dim3A_46 = vector.broadcast %broadcast_in_dim3A_45 : i32 to vector<16xi32>
    %broadcast_in_dim3A_47 = arith.constant 10000 : i32
    %broadcast_in_dim3A_48 = vector.broadcast %broadcast_in_dim3A_47 : i32 to vector<16xi32>
    %broadcast_in_dim3A_49 = arith.constant 20000 : i32
    %broadcast_in_dim3A_50 = vector.broadcast %broadcast_in_dim3A_49 : i32 to vector<16xi32>
    %broadcast_in_dim3A_51 = arith.constant 30000 : i32
    %broadcast_in_dim3A_52 = vector.broadcast %broadcast_in_dim3A_51 : i32 to vector<16xi32>
    %scan3A_53 = arith.constant 0 : i32
    %scan3A_54 = arith.constant 0 : i32
    %scan3A_55 = arith.constant 8 : i32
    %scan3A_56 = arith.addi %scan3A_54, %scan3A_55 : i32
    %scan3A_57 = arith.constant 1 : i32
    %scan3A_58 = scf.for %scan3A_60 = %scan3A_54 to %scan3A_56 step %scan3A_57 iter_args(%scan3A_61 = %scan3A_53) -> (i32)  : i32 {
      %mul3A_62 = arith.constant 2 : i32
      %mul3A_63 = arith.muli %scan3A_60, %mul3A_62 : i32
      %add3A_64 = arith.constant 0 : i32
      %add3A_65 = arith.addi %mul3A_63, %add3A_64 : i32
      %mul3A_66 = arith.constant 20000 : i32
      %mul3A_67 = arith.muli %add3A_65, %mul3A_66 : i32
      %dma_wait3A_68 = tpu.memref_slice %arg3[%mul3A_67] : memref<320000xi32, #tpu.memory_space<hbm>> -> memref<20000xi32, #tpu.memory_space<hbm>>
      %dma_wait3A_69 = tpu.memref_slice %arg3[%mul3A_67] : memref<320000xi32, #tpu.memory_space<hbm>> -> memref<20000xi32, #tpu.memory_space<hbm>>
      tpu.wait_dma2 semaphore(%arg10 : memref<!tpu.dma_semaphore, #tpu.memory_space<semaphore_mem>>) src(%dma_wait3A_69 : memref<20000xi32, #tpu.memory_space<hbm>>) dst(%arg7 : memref<20000xi32, #tpu.memory_space<vmem>>)
      %add3A_70 = arith.constant 1 : i32
      %add3A_71 = arith.addi %add3A_65, %add3A_70 : i32
      %lt3A = arith.constant 16 : i32
      %lt3A_72 = arith.cmpi slt, %add3A_71, %lt3A : i32
      %convert_element_type3A = arith.extui %lt3A_72 : i1 to i32
      %cond3A = arith.constant 0 : i32
      %cond3A_73 = arith.cmpi ne, %convert_element_type3A, %cond3A : i32
      scf.if %cond3A_73 {
        %add3A_95 = arith.constant 1 : i32
        %add3A_96 = arith.addi %add3A_65, %add3A_95 : i32
        %mul3A_97 = arith.constant 20000 : i32
        %mul3A_98 = arith.muli %add3A_96, %mul3A_97 : i32
        %dma_start3A_99 = tpu.memref_slice %arg3[%mul3A_98] : memref<320000xi32, #tpu.memory_space<hbm>> -> memref<20000xi32, #tpu.memory_space<hbm>>
        %dma_start3A_100 = tpu.memref_slice %arg3[%mul3A_98] : memref<320000xi32, #tpu.memory_space<hbm>> -> memref<20000xi32, #tpu.memory_space<hbm>>
        tpu.enqueue_dma source(%dma_start3A_100 : memref<20000xi32, #tpu.memory_space<hbm>>) target(%arg8 : memref<20000xi32, #tpu.memory_space<vmem>>) target_semaphore(%arg11 : memref<!tpu.dma_semaphore, #tpu.memory_space<semaphore_mem>>)
      } else {
      }
      %parallel_loop3A = arith.constant 0 : i32
      %parallel_loop3A_74 = arith.constant 1250 : i32
      %parallel_loop3A_75 = arith.constant 1 : i32
      scf.for %parallel_loop3A_95 = %parallel_loop3A to %parallel_loop3A_74 step %parallel_loop3A_75  : i32 {
        %parallel_loop3A_96 = arith.constant 16 : i32
        %parallel_loop3A_97 = arith.muli %parallel_loop3A_95, %parallel_loop3A_96 : i32
        %parallel_loop3A_98 = arith.index_cast %parallel_loop3A_97 : i32 to index
        %parallel_loop3A_99 = tpu.vector_load %arg7[%parallel_loop3A_98] {strides = array<i32>} : memref<20000xi32, #tpu.memory_space<vmem>>, vector<16xi32>,
        %parallel_loop3A_100 = arith.constant 65535 : i32
        %parallel_loop3A_101 = vector.broadcast %parallel_loop3A_100 : i32 to vector<16xi32>
        %parallel_loop3A_102 = arith.andi %parallel_loop3A_99, %parallel_loop3A_101 : vector<16xi32>
        %parallel_loop3A_103 = arith.constant 16 : i32
        %parallel_loop3A_104 = vector.broadcast %parallel_loop3A_103 : i32 to vector<16xi32>
        %parallel_loop3A_105 = arith.shrui %parallel_loop3A_99, %parallel_loop3A_104 : vector<16xi32>
        %parallel_loop3A_106 = arith.addi %parallel_loop3A_102, %broadcast_in_dim3A_46 : vector<16xi32>
        %parallel_loop3A_107 = tpu.vector_load_idx %arg5[%parallel_loop3A_106] : memref<40000xf32, #tpu.memory_space<vmem>>[vector<16xi32>], vector<16xf32>,
        %parallel_loop3A_108 = arith.addi %parallel_loop3A_105, %broadcast_in_dim3A_46 : vector<16xi32>
        tpu.vector_store_idx %arg6[%parallel_loop3A_108], %parallel_loop3A_107 {add = true} : memref<40000xf32, #tpu.memory_space<vmem>>[vector<16xi32>], vector<16xf32>,
        %parallel_loop3A_109 = arith.addi %parallel_loop3A_102, %broadcast_in_dim3A_48 : vector<16xi32>
        %parallel_loop3A_110 = tpu.vector_load_idx %arg5[%parallel_loop3A_109] : memref<40000xf32, #tpu.memory_space<vmem>>[vector<16xi32>], vector<16xf32>,
        %parallel_loop3A_111 = arith.addi %parallel_loop3A_105, %broadcast_in_dim3A_48 : vector<16xi32>
        tpu.vector_store_idx %arg6[%parallel_loop3A_111], %parallel_loop3A_110 {add = true} : memref<40000xf32, #tpu.memory_space<vmem>>[vector<16xi32>], vector<16xf32>,
        %parallel_loop3A_112 = arith.addi %parallel_loop3A_102, %broadcast_in_dim3A_50 : vector<16xi32>
        %parallel_loop3A_113 = tpu.vector_load_idx %arg5[%parallel_loop3A_112] : memref<40000xf32, #tpu.memory_space<vmem>>[vector<16xi32>], vector<16xf32>,
        %parallel_loop3A_114 = arith.addi %parallel_loop3A_105, %broadcast_in_dim3A_50 : vector<16xi32>
        tpu.vector_store_idx %arg6[%parallel_loop3A_114], %parallel_loop3A_113 {add = true} : memref<40000xf32, #tpu.memory_space<vmem>>[vector<16xi32>], vector<16xf32>,
        %parallel_loop3A_115 = arith.addi %parallel_loop3A_102, %broadcast_in_dim3A_52 : vector<16xi32>
        %parallel_loop3A_116 = tpu.vector_load_idx %arg5[%parallel_loop3A_115] : memref<40000xf32, #tpu.memory_space<vmem>>[vector<16xi32>], vector<16xf32>,
        %parallel_loop3A_117 = arith.addi %parallel_loop3A_105, %broadcast_in_dim3A_52 : vector<16xi32>
        tpu.vector_store_idx %arg6[%parallel_loop3A_117], %parallel_loop3A_116 {add = true} : memref<40000xf32, #tpu.memory_space<vmem>>[vector<16xi32>], vector<16xf32>,
      } {sc.loop_unroll_factor = 8 : i64, sc.parallel_access}
      %mul3A_76 = arith.constant 2 : i32
      %mul3A_77 = arith.muli %scan3A_60, %mul3A_76 : i32
      %add3A_78 = arith.constant 1 : i32
      %add3A_79 = arith.addi %mul3A_77, %add3A_78 : i32
      %mul3A_80 = arith.constant 20000 : i32
      %mul3A_81 = arith.muli %add3A_79, %mul3A_80 : i32
      %dma_wait3A_82 = tpu.memref_slice %arg3[%mul3A_81] : memref<320000xi32, #tpu.memory_space<hbm>> -> memref<20000xi32, #tpu.memory_space<hbm>>
      %dma_wait3A_83 = tpu.memref_slice %arg3[%mul3A_81] : memref<320000xi32, #tpu.memory_space<hbm>> -> memref<20000xi32, #tpu.memory_space<hbm>>
      tpu.wait_dma2 semaphore(%arg11 : memref<!tpu.dma_semaphore, #tpu.memory_space<semaphore_mem>>) src(%dma_wait3A_83 : memref<20000xi32, #tpu.memory_space<hbm>>) dst(%arg8 : memref<20000xi32, #tpu.memory_space<vmem>>)
      %add3A_84 = arith.constant 1 : i32
      %add3A_85 = arith.addi %add3A_79, %add3A_84 : i32
      %lt3A_86 = arith.constant 16 : i32
      %lt3A_87 = arith.cmpi slt, %add3A_85, %lt3A_86 : i32
      %convert_element_type3A_88 = arith.extui %lt3A_87 : i1 to i32
      %cond3A_89 = arith.constant 0 : i32
      %cond3A_90 = arith.cmpi ne, %convert_element_type3A_88, %cond3A_89 : i32
      scf.if %cond3A_90 {
        %add3A_95 = arith.constant 1 : i32
        %add3A_96 = arith.addi %add3A_79, %add3A_95 : i32
        %mul3A_97 = arith.constant 20000 : i32
        %mul3A_98 = arith.muli %add3A_96, %mul3A_97 : i32
        %dma_start3A_99 = tpu.memref_slice %arg3[%mul3A_98] : memref<320000xi32, #tpu.memory_space<hbm>> -> memref<20000xi32, #tpu.memory_space<hbm>>
        %dma_start3A_100 = tpu.memref_slice %arg3[%mul3A_98] : memref<320000xi32, #tpu.memory_space<hbm>> -> memref<20000xi32, #tpu.memory_space<hbm>>
        tpu.enqueue_dma source(%dma_start3A_100 : memref<20000xi32, #tpu.memory_space<hbm>>) target(%arg7 : memref<20000xi32, #tpu.memory_space<vmem>>) target_semaphore(%arg10 : memref<!tpu.dma_semaphore, #tpu.memory_space<semaphore_mem>>)
      } else {
      }
      %parallel_loop3A_91 = arith.constant 0 : i32
      %parallel_loop3A_92 = arith.constant 1250 : i32
      %parallel_loop3A_93 = arith.constant 1 : i32
      scf.for %parallel_loop3A_95 = %parallel_loop3A_91 to %parallel_loop3A_92 step %parallel_loop3A_93  : i32 {
        %parallel_loop3A_96 = arith.constant 16 : i32
        %parallel_loop3A_97 = arith.muli %parallel_loop3A_95, %parallel_loop3A_96 : i32
        %parallel_loop3A_98 = arith.index_cast %parallel_loop3A_97 : i32 to index
        %parallel_loop3A_99 = tpu.vector_load %arg8[%parallel_loop3A_98] {strides = array<i32>} : memref<20000xi32, #tpu.memory_space<vmem>>, vector<16xi32>,
        %parallel_loop3A_100 = arith.constant 65535 : i32
        %parallel_loop3A_101 = vector.broadcast %parallel_loop3A_100 : i32 to vector<16xi32>
        %parallel_loop3A_102 = arith.andi %parallel_loop3A_99, %parallel_loop3A_101 : vector<16xi32>
        %parallel_loop3A_103 = arith.constant 16 : i32
        %parallel_loop3A_104 = vector.broadcast %parallel_loop3A_103 : i32 to vector<16xi32>
        %parallel_loop3A_105 = arith.shrui %parallel_loop3A_99, %parallel_loop3A_104 : vector<16xi32>
        %parallel_loop3A_106 = arith.addi %parallel_loop3A_102, %broadcast_in_dim3A_46 : vector<16xi32>
        %parallel_loop3A_107 = tpu.vector_load_idx %arg5[%parallel_loop3A_106] : memref<40000xf32, #tpu.memory_space<vmem>>[vector<16xi32>], vector<16xf32>,
        %parallel_loop3A_108 = arith.addi %parallel_loop3A_105, %broadcast_in_dim3A_46 : vector<16xi32>
        tpu.vector_store_idx %arg6[%parallel_loop3A_108], %parallel_loop3A_107 {add = true} : memref<40000xf32, #tpu.memory_space<vmem>>[vector<16xi32>], vector<16xf32>,
        %parallel_loop3A_109 = arith.addi %parallel_loop3A_102, %broadcast_in_dim3A_48 : vector<16xi32>
        %parallel_loop3A_110 = tpu.vector_load_idx %arg5[%parallel_loop3A_109] : memref<40000xf32, #tpu.memory_space<vmem>>[vector<16xi32>], vector<16xf32>,
        %parallel_loop3A_111 = arith.addi %parallel_loop3A_105, %broadcast_in_dim3A_48 : vector<16xi32>
        tpu.vector_store_idx %arg6[%parallel_loop3A_111], %parallel_loop3A_110 {add = true} : memref<40000xf32, #tpu.memory_space<vmem>>[vector<16xi32>], vector<16xf32>,
        %parallel_loop3A_112 = arith.addi %parallel_loop3A_102, %broadcast_in_dim3A_50 : vector<16xi32>
        %parallel_loop3A_113 = tpu.vector_load_idx %arg5[%parallel_loop3A_112] : memref<40000xf32, #tpu.memory_space<vmem>>[vector<16xi32>], vector<16xf32>,
        %parallel_loop3A_114 = arith.addi %parallel_loop3A_105, %broadcast_in_dim3A_50 : vector<16xi32>
        tpu.vector_store_idx %arg6[%parallel_loop3A_114], %parallel_loop3A_113 {add = true} : memref<40000xf32, #tpu.memory_space<vmem>>[vector<16xi32>], vector<16xf32>,
        %parallel_loop3A_115 = arith.addi %parallel_loop3A_102, %broadcast_in_dim3A_52 : vector<16xi32>
        %parallel_loop3A_116 = tpu.vector_load_idx %arg5[%parallel_loop3A_115] : memref<40000xf32, #tpu.memory_space<vmem>>[vector<16xi32>], vector<16xf32>,
        %parallel_loop3A_117 = arith.addi %parallel_loop3A_105, %broadcast_in_dim3A_52 : vector<16xi32>
        tpu.vector_store_idx %arg6[%parallel_loop3A_117], %parallel_loop3A_116 {add = true} : memref<40000xf32, #tpu.memory_space<vmem>>[vector<16xi32>], vector<16xf32>,
      } {sc.loop_unroll_factor = 8 : i64, sc.parallel_access}
      %scan3A_94 = arith.constant 0 : i32
      scf.yield %scan3A_94 : i32
    }
    %scan3A_59 = arith.constant 8 : i32
    "tpu.region"() ({
      %run_scoped3A = tpu.sem_alloc : memref<!tpu.dma_semaphore, #tpu.memory_space<semaphore_mem>>
      %dma_start3A_60 = tpu.memref_slice %arg4[%mul3A_4] : memref<1280000xf32, #tpu.memory_space<hbm>> -> memref<40000xf32, #tpu.memory_space<hbm>>
      %dma_start3A_61 = tpu.memref_slice %arg4[%mul3A_4] : memref<1280000xf32, #tpu.memory_space<hbm>> -> memref<40000xf32, #tpu.memory_space<hbm>>
      tpu.enqueue_dma source(%arg6 : memref<40000xf32, #tpu.memory_space<vmem>>) target(%dma_start3A_61 : memref<40000xf32, #tpu.memory_space<hbm>>) target_semaphore(%run_scoped3A : memref<!tpu.dma_semaphore, #tpu.memory_space<semaphore_mem>>)
      %dma_wait3A_62 = tpu.memref_slice %arg4[%mul3A_4] : memref<1280000xf32, #tpu.memory_space<hbm>> -> memref<40000xf32, #tpu.memory_space<hbm>>
      %dma_wait3A_63 = tpu.memref_slice %arg4[%mul3A_4] : memref<1280000xf32, #tpu.memory_space<hbm>> -> memref<40000xf32, #tpu.memory_space<hbm>>
      tpu.wait_dma2 semaphore(%run_scoped3A : memref<!tpu.dma_semaphore, #tpu.memory_space<semaphore_mem>>) src(%arg6 : memref<40000xf32, #tpu.memory_space<vmem>>) dst(%dma_wait3A_63 : memref<40000xf32, #tpu.memory_space<hbm>>)
      tpu.yield
    }) : () -> ()
    return
  }
}

module attributes {stable_mosaic.version = 14 : i64} {
  func.func @_tc1_body(%arg0: memref<32x10000xf32, #tpu.memory_space<vmem>>, %arg1: memref<10000x128xf32, #tpu.memory_space<vmem>>, %arg2: memref<128x128xf32, #tpu.memory_space<vmem>>, %arg3: memref<500x640xi32, #tpu.memory_space<vmem>>, %arg4: memref<500x640xi32, #tpu.memory_space<vmem>>, %arg5: memref<128x10000xf32, #tpu.memory_space<vmem>>, %arg6: memref<1x10000xf32, #tpu.memory_space<vmem>>, %arg7: memref<500x640xi32, #tpu.memory_space<vmem>>) attributes {dimension_semantics = [], scalar_prefetch = 0 : i64, scratch_operands = 0 : i64, tpu.core_type = #tpu.core_type<tc>} {
    %get3A = arith.constant 0 : index
    %get3A_0 = arith.constant 0 : index
    %get3A_1 = vector.load %arg0[%get3A, %get3A_0] : memref<32x10000xf32, #tpu.memory_space<vmem>>, vector<32x10000xf32>
    %reduce_sum3A = arith.constant dense<0.000000e+00> : vector<10000xf32>
    %reduce_sum3A_2 = vector.multi_reduction <add>, %get3A_1, %reduce_sum3A [0] : vector<32x10000xf32> to vector<10000xf32>
    %broadcast_in_dim3A = vector.shape_cast %reduce_sum3A_2 : vector<10000xf32> to vector<1x10000xf32>
    %add3A = arith.constant 1.000000e+00 : f32
    %add3A_3 = vector.broadcast %add3A : f32 to vector<1x10000xf32>
    %add3A_4 = arith.addf %add3A_3, %broadcast_in_dim3A : vector<1x10000xf32>
    %rsqrt3A = math.rsqrt %add3A_4 : vector<1x10000xf32>
    %get3A_5 = arith.constant 0 : index
    %get3A_6 = arith.constant 0 : index
    %get3A_7 = vector.load %arg2[%get3A_5, %get3A_6] : memref<128x128xf32, #tpu.memory_space<vmem>>, vector<128x128xf32>
    %get3A_8 = arith.constant 0 : index
    %get3A_9 = arith.constant 0 : index
    %get3A_10 = vector.load %arg1[%get3A_8, %get3A_9] : memref<10000x128xf32, #tpu.memory_space<vmem>>, vector<10000x128xf32>
    %dot_general3A = arith.constant dense<0.000000e+00> : vector<128x10000xf32>
    %dot_general3A_11 = tpu.matmul %get3A_7, %get3A_10, %dot_general3A {dimension_numbers = #tpu.dot_dimension_numbers<[0], [1], [1], [0], [0, 1, 1, 0], [], []>, transpose_lhs_hint = false} : vector<128x128xf32>, vector<10000x128xf32>, vector<128x10000xf32> -> vector<128x10000xf32>
    %mul3A = vector.broadcast %rsqrt3A : vector<1x10000xf32> to vector<128x10000xf32>
    %mul3A_12 = arith.mulf %dot_general3A_11, %mul3A : vector<128x10000xf32>
    %swap3A = arith.constant 0 : index
    %swap3A_13 = arith.constant 0 : index
    %swap3A_14 = vector.load %arg5[%swap3A, %swap3A_13] : memref<128x10000xf32, #tpu.memory_space<vmem>>, vector<128x10000xf32>
    tpu.vector_store %arg5[%swap3A, %swap3A_13], %mul3A_12 {strides = array<i32>} : memref<128x10000xf32, #tpu.memory_space<vmem>>, vector<128x10000xf32>,
    %swap3A_15 = arith.constant 0 : index
    %swap3A_16 = arith.constant 0 : index
    %swap3A_17 = vector.load %arg6[%swap3A_15, %swap3A_16] : memref<1x10000xf32, #tpu.memory_space<vmem>>, vector<1x10000xf32>
    tpu.vector_store %arg6[%swap3A_15, %swap3A_16], %rsqrt3A {strides = array<i32>} : memref<1x10000xf32, #tpu.memory_space<vmem>>, vector<1x10000xf32>,
    %get3A_18 = arith.constant 0 : index
    %get3A_19 = arith.constant 0 : index
    %get3A_20 = vector.load %arg3[%get3A_18, %get3A_19] : memref<500x640xi32, #tpu.memory_space<vmem>>, vector<500x640xi32>
    %get3A_21 = arith.constant 0 : index
    %get3A_22 = arith.constant 0 : index
    %get3A_23 = vector.load %arg4[%get3A_21, %get3A_22] : memref<500x640xi32, #tpu.memory_space<vmem>>, vector<500x640xi32>
    %shift_left3A = arith.constant 16 : i32
    %shift_left3A_24 = vector.broadcast %shift_left3A : i32 to vector<500x640xi32>
    %shift_left3A_25 = arith.shli %get3A_23, %shift_left3A_24 : vector<500x640xi32>
    %or3A = arith.ori %get3A_20, %shift_left3A_25 : vector<500x640xi32>
    %swap3A_26 = arith.constant 0 : index
    %swap3A_27 = arith.constant 0 : index
    %swap3A_28 = vector.load %arg7[%swap3A_26, %swap3A_27] : memref<500x640xi32, #tpu.memory_space<vmem>>, vector<500x640xi32>
    tpu.vector_store %arg7[%swap3A_26, %swap3A_27], %or3A {strides = array<i32>} : memref<500x640xi32, #tpu.memory_space<vmem>>, vector<500x640xi32>,
    return
  }
}

module attributes {stable_mosaic.version = 14 : i64} {
  func.func @_tc2_body(%arg0: memref<128x10000xf32, #tpu.memory_space<vmem>>, %arg1: memref<128x10000xf32, #tpu.memory_space<vmem>>, %arg2: memref<1x10000xf32, #tpu.memory_space<vmem>>, %arg3: memref<128x1xf32, #tpu.memory_space<vmem>>, %arg4: memref<128x1xf32, #tpu.memory_space<vmem>>, %arg5: memref<128x1xf32, #tpu.memory_space<vmem>>, %arg6: memref<128x128xf32, #tpu.memory_space<vmem>>, %arg7: memref<128x10000xf32, #tpu.memory_space<vmem>>) attributes {dimension_semantics = [], scalar_prefetch = 0 : i64, scratch_operands = 0 : i64, tpu.core_type = #tpu.core_type<tc>} {
    %get3A = arith.constant 0 : index
    %get3A_0 = arith.constant 0 : index
    %get3A_1 = vector.load %arg2[%get3A, %get3A_0] : memref<1x10000xf32, #tpu.memory_space<vmem>>, vector<1x10000xf32>
    %get3A_2 = arith.constant 0 : index
    %get3A_3 = arith.constant 0 : index
    %get3A_4 = vector.load %arg0[%get3A_2, %get3A_3] : memref<128x10000xf32, #tpu.memory_space<vmem>>, vector<128x10000xf32>
    %get3A_5 = arith.constant 0 : index
    %get3A_6 = arith.constant 0 : index
    %get3A_7 = vector.load %arg1[%get3A_5, %get3A_6] : memref<128x10000xf32, #tpu.memory_space<vmem>>, vector<128x10000xf32>
    %add3A = arith.addf %get3A_4, %get3A_7 : vector<128x10000xf32>
    %mul3A = vector.broadcast %get3A_1 : vector<1x10000xf32> to vector<128x10000xf32>
    %mul3A_8 = arith.mulf %add3A, %mul3A : vector<128x10000xf32>
    %get3A_9 = arith.constant 0 : index
    %get3A_10 = arith.constant 0 : index
    %get3A_11 = vector.load %arg3[%get3A_9, %get3A_10] : memref<128x1xf32, #tpu.memory_space<vmem>>, vector<128x1xf32>
    %add3A_12 = vector.broadcast %get3A_11 : vector<128x1xf32> to vector<128x10000xf32>
    %add3A_13 = arith.addf %mul3A_8, %add3A_12 : vector<128x10000xf32>
    %get3A_14 = arith.constant 0 : index
    %get3A_15 = arith.constant 0 : index
    %get3A_16 = vector.load %arg4[%get3A_14, %get3A_15] : memref<128x1xf32, #tpu.memory_space<vmem>>, vector<128x1xf32>
    %get3A_17 = arith.constant 0 : index
    %get3A_18 = arith.constant 0 : index
    %get3A_19 = vector.load %arg5[%get3A_17, %get3A_18] : memref<128x1xf32, #tpu.memory_space<vmem>>, vector<128x1xf32>
    %reduce_sum3A = arith.constant dense<0.000000e+00> : vector<128xf32>
    %reduce_sum3A_20 = vector.multi_reduction <add>, %add3A_13, %reduce_sum3A [1] : vector<128x10000xf32> to vector<128xf32>
    %broadcast_in_dim3A = vector.shape_cast %reduce_sum3A_20 : vector<128xf32> to vector<128x1xf32>
    %div3A = arith.constant 1.000000e+04 : f32
    %div3A_21 = vector.broadcast %div3A : f32 to vector<128x1xf32>
    %div3A_22 = arith.divf %broadcast_in_dim3A, %div3A_21 : vector<128x1xf32>
    %sub3A = vector.broadcast %div3A_22 : vector<128x1xf32> to vector<128x10000xf32>
    %sub3A_23 = arith.subf %add3A_13, %sub3A : vector<128x10000xf32>
    %mul3A_24 = arith.mulf %sub3A_23, %sub3A_23 : vector<128x10000xf32>
    %reduce_sum3A_25 = arith.constant dense<0.000000e+00> : vector<128xf32>
    %reduce_sum3A_26 = vector.multi_reduction <add>, %mul3A_24, %reduce_sum3A_25 [1] : vector<128x10000xf32> to vector<128xf32>
    %broadcast_in_dim3A_27 = vector.shape_cast %reduce_sum3A_26 : vector<128xf32> to vector<128x1xf32>
    %div3A_28 = arith.constant 1.000000e+04 : f32
    %div3A_29 = vector.broadcast %div3A_28 : f32 to vector<128x1xf32>
    %div3A_30 = arith.divf %broadcast_in_dim3A_27, %div3A_29 : vector<128x1xf32>
    %add3A_31 = arith.constant 9.99999974E-6 : f32
    %add3A_32 = vector.broadcast %add3A_31 : f32 to vector<128x1xf32>
    %add3A_33 = arith.addf %div3A_30, %add3A_32 : vector<128x1xf32>
    %rsqrt3A = math.rsqrt %add3A_33 : vector<128x1xf32>
    %mul3A_34 = vector.broadcast %rsqrt3A : vector<128x1xf32> to vector<128x10000xf32>
    %mul3A_35 = arith.mulf %sub3A_23, %mul3A_34 : vector<128x10000xf32>
    %mul3A_36 = vector.broadcast %get3A_16 : vector<128x1xf32> to vector<128x10000xf32>
    %mul3A_37 = arith.mulf %mul3A_35, %mul3A_36 : vector<128x10000xf32>
    %add3A_38 = vector.broadcast %get3A_19 : vector<128x1xf32> to vector<128x10000xf32>
    %add3A_39 = arith.addf %mul3A_37, %add3A_38 : vector<128x10000xf32>
    %max3A = arith.constant 0.000000e+00 : f32
    %max3A_40 = vector.broadcast %max3A : f32 to vector<128x10000xf32>
    %max3A_41 = arith.maximumf %add3A_39, %max3A_40 : vector<128x10000xf32>
    %get3A_42 = arith.constant 0 : index
    %get3A_43 = arith.constant 0 : index
    %get3A_44 = vector.load %arg6[%get3A_42, %get3A_43] : memref<128x128xf32, #tpu.memory_space<vmem>>, vector<128x128xf32>
    %dot_general3A = arith.constant dense<0.000000e+00> : vector<128x10000xf32>
    %dot_general3A_45 = tpu.matmul %get3A_44, %max3A_41, %dot_general3A {dimension_numbers = #tpu.dot_dimension_numbers<[0], [0], [1], [1], [0, 1, 1, 1], [], []>, transpose_lhs_hint = false} : vector<128x128xf32>, vector<128x10000xf32>, vector<128x10000xf32> -> vector<128x10000xf32>
    %mul3A_46 = vector.broadcast %get3A_1 : vector<1x10000xf32> to vector<128x10000xf32>
    %mul3A_47 = arith.mulf %dot_general3A_45, %mul3A_46 : vector<128x10000xf32>
    %swap3A = arith.constant 0 : index
    %swap3A_48 = arith.constant 0 : index
    %swap3A_49 = vector.load %arg7[%swap3A, %swap3A_48] : memref<128x10000xf32, #tpu.memory_space<vmem>>, vector<128x10000xf32>
    tpu.vector_store %arg7[%swap3A, %swap3A_48], %mul3A_47 {strides = array<i32>} : memref<128x10000xf32, #tpu.memory_space<vmem>>, vector<128x10000xf32>,
    return
  }
}

module attributes {stable_mosaic.version = 14 : i64} {
  func.func @_tc3_body(%arg0: memref<128x10000xf32, #tpu.memory_space<vmem>>, %arg1: memref<128x10000xf32, #tpu.memory_space<vmem>>, %arg2: memref<1x10000xf32, #tpu.memory_space<vmem>>, %arg3: memref<128x1xf32, #tpu.memory_space<vmem>>, %arg4: memref<128x1xf32, #tpu.memory_space<vmem>>, %arg5: memref<128x1xf32, #tpu.memory_space<vmem>>, %arg6: memref<1x10000xi32, #tpu.memory_space<vmem>>, %arg7: memref<128x40xf32, #tpu.memory_space<vmem>>, %arg8: memref<1x40xf32, #tpu.memory_space<vmem>>, %arg9: memref<64x40xf32, #tpu.memory_space<vmem>>) attributes {dimension_semantics = [], scalar_prefetch = 0 : i64, scratch_operands = 0 : i64, tpu.core_type = #tpu.core_type<tc>} {
    %get3A = arith.constant 0 : index
    %get3A_0 = arith.constant 0 : index
    %get3A_1 = vector.load %arg2[%get3A, %get3A_0] : memref<1x10000xf32, #tpu.memory_space<vmem>>, vector<1x10000xf32>
    %get3A_2 = arith.constant 0 : index
    %get3A_3 = arith.constant 0 : index
    %get3A_4 = vector.load %arg0[%get3A_2, %get3A_3] : memref<128x10000xf32, #tpu.memory_space<vmem>>, vector<128x10000xf32>
    %get3A_5 = arith.constant 0 : index
    %get3A_6 = arith.constant 0 : index
    %get3A_7 = vector.load %arg1[%get3A_5, %get3A_6] : memref<128x10000xf32, #tpu.memory_space<vmem>>, vector<128x10000xf32>
    %add3A = arith.addf %get3A_4, %get3A_7 : vector<128x10000xf32>
    %mul3A = vector.broadcast %get3A_1 : vector<1x10000xf32> to vector<128x10000xf32>
    %mul3A_8 = arith.mulf %add3A, %mul3A : vector<128x10000xf32>
    %get3A_9 = arith.constant 0 : index
    %get3A_10 = arith.constant 0 : index
    %get3A_11 = vector.load %arg3[%get3A_9, %get3A_10] : memref<128x1xf32, #tpu.memory_space<vmem>>, vector<128x1xf32>
    %add3A_12 = vector.broadcast %get3A_11 : vector<128x1xf32> to vector<128x10000xf32>
    %add3A_13 = arith.addf %mul3A_8, %add3A_12 : vector<128x10000xf32>
    %get3A_14 = arith.constant 0 : index
    %get3A_15 = arith.constant 0 : index
    %get3A_16 = vector.load %arg4[%get3A_14, %get3A_15] : memref<128x1xf32, #tpu.memory_space<vmem>>, vector<128x1xf32>
    %get3A_17 = arith.constant 0 : index
    %get3A_18 = arith.constant 0 : index
    %get3A_19 = vector.load %arg5[%get3A_17, %get3A_18] : memref<128x1xf32, #tpu.memory_space<vmem>>, vector<128x1xf32>
    %reduce_sum3A = arith.constant dense<0.000000e+00> : vector<128xf32>
    %reduce_sum3A_20 = vector.multi_reduction <add>, %add3A_13, %reduce_sum3A [1] : vector<128x10000xf32> to vector<128xf32>
    %broadcast_in_dim3A = vector.shape_cast %reduce_sum3A_20 : vector<128xf32> to vector<128x1xf32>
    %div3A = arith.constant 1.000000e+04 : f32
    %div3A_21 = vector.broadcast %div3A : f32 to vector<128x1xf32>
    %div3A_22 = arith.divf %broadcast_in_dim3A, %div3A_21 : vector<128x1xf32>
    %sub3A = vector.broadcast %div3A_22 : vector<128x1xf32> to vector<128x10000xf32>
    %sub3A_23 = arith.subf %add3A_13, %sub3A : vector<128x10000xf32>
    %mul3A_24 = arith.mulf %sub3A_23, %sub3A_23 : vector<128x10000xf32>
    %reduce_sum3A_25 = arith.constant dense<0.000000e+00> : vector<128xf32>
    %reduce_sum3A_26 = vector.multi_reduction <add>, %mul3A_24, %reduce_sum3A_25 [1] : vector<128x10000xf32> to vector<128xf32>
    %broadcast_in_dim3A_27 = vector.shape_cast %reduce_sum3A_26 : vector<128xf32> to vector<128x1xf32>
    %div3A_28 = arith.constant 1.000000e+04 : f32
    %div3A_29 = vector.broadcast %div3A_28 : f32 to vector<128x1xf32>
    %div3A_30 = arith.divf %broadcast_in_dim3A_27, %div3A_29 : vector<128x1xf32>
    %add3A_31 = arith.constant 9.99999974E-6 : f32
    %add3A_32 = vector.broadcast %add3A_31 : f32 to vector<128x1xf32>
    %add3A_33 = arith.addf %div3A_30, %add3A_32 : vector<128x1xf32>
    %rsqrt3A = math.rsqrt %add3A_33 : vector<128x1xf32>
    %mul3A_34 = vector.broadcast %rsqrt3A : vector<128x1xf32> to vector<128x10000xf32>
    %mul3A_35 = arith.mulf %sub3A_23, %mul3A_34 : vector<128x10000xf32>
    %mul3A_36 = vector.broadcast %get3A_16 : vector<128x1xf32> to vector<128x10000xf32>
    %mul3A_37 = arith.mulf %mul3A_35, %mul3A_36 : vector<128x10000xf32>
    %add3A_38 = vector.broadcast %get3A_19 : vector<128x1xf32> to vector<128x10000xf32>
    %add3A_39 = arith.addf %mul3A_37, %add3A_38 : vector<128x10000xf32>
    %max3A = arith.constant 0.000000e+00 : f32
    %max3A_40 = vector.broadcast %max3A : f32 to vector<128x10000xf32>
    %max3A_41 = arith.maximumf %add3A_39, %max3A_40 : vector<128x10000xf32>
    %iota3A = tpu.iota {dimensions = array<i32: 0>} : vector<64x10000xi32>
    %get3A_42 = arith.constant 0 : index
    %get3A_43 = arith.constant 0 : index
    %get3A_44 = vector.load %arg6[%get3A_42, %get3A_43] : memref<1x10000xi32, #tpu.memory_space<vmem>>, vector<1x10000xi32>
    %eq3A = vector.broadcast %get3A_44 : vector<1x10000xi32> to vector<64x10000xi32>
    %eq3A_45 = arith.cmpi eq, %eq3A, %iota3A : vector<64x10000xi32>
    %convert_element_type3A = arith.extui %eq3A_45 : vector<64x10000xi1> to vector<64x10000xi32>
    %convert_element_type3A_46 = arith.sitofp %convert_element_type3A : vector<64x10000xi32> to vector<64x10000xf32>
    %reduce_sum3A_47 = arith.constant dense<0.000000e+00> : vector<64xf32>
    %reduce_sum3A_48 = vector.multi_reduction <add>, %convert_element_type3A_46, %reduce_sum3A_47 [1] : vector<64x10000xf32> to vector<64xf32>
    %broadcast_in_dim3A_49 = vector.shape_cast %reduce_sum3A_48 : vector<64xf32> to vector<64x1xf32>
    %dot_general3A = arith.constant dense<0.000000e+00> : vector<64x128xf32>
    %dot_general3A_50 = tpu.matmul %convert_element_type3A_46, %max3A_41, %dot_general3A {dimension_numbers = #tpu.dot_dimension_numbers<[1], [1], [0], [0], [0, 0, 1, 0], [], []>, transpose_lhs_hint = false} : vector<64x10000xf32>, vector<128x10000xf32>, vector<64x128xf32> -> vector<64x128xf32>
    %max3A_51 = arith.constant 1.000000e+00 : f32
    %max3A_52 = vector.broadcast %max3A_51 : f32 to vector<64x1xf32>
    %max3A_53 = arith.maximumf %broadcast_in_dim3A_49, %max3A_52 : vector<64x1xf32>
    %div3A_54 = vector.broadcast %max3A_53 : vector<64x1xf32> to vector<64x128xf32>
    %div3A_55 = arith.divf %dot_general3A_50, %div3A_54 : vector<64x128xf32>
    %get3A_56 = arith.constant 0 : index
    %get3A_57 = arith.constant 0 : index
    %get3A_58 = vector.load %arg7[%get3A_56, %get3A_57] : memref<128x40xf32, #tpu.memory_space<vmem>>, vector<128x40xf32>
    %dot_general3A_59 = arith.constant dense<0.000000e+00> : vector<64x40xf32>
    %dot_general3A_60 = tpu.matmul %div3A_55, %get3A_58, %dot_general3A_59 {dimension_numbers = #tpu.dot_dimension_numbers<[1], [0], [0], [1], [0, 0, 1, 1], [], []>, transpose_lhs_hint = false} : vector<64x128xf32>, vector<128x40xf32>, vector<64x40xf32> -> vector<64x40xf32>
    %get3A_61 = arith.constant 0 : index
    %get3A_62 = arith.constant 0 : index
    %get3A_63 = vector.load %arg8[%get3A_61, %get3A_62] : memref<1x40xf32, #tpu.memory_space<vmem>>, vector<1x40xf32>
    %add3A_64 = vector.broadcast %get3A_63 : vector<1x40xf32> to vector<64x40xf32>
    %add3A_65 = arith.addf %dot_general3A_60, %add3A_64 : vector<64x40xf32>
    %swap3A = arith.constant 0 : index
    %swap3A_66 = arith.constant 0 : index
    %swap3A_67 = vector.load %arg9[%swap3A, %swap3A_66] : memref<64x40xf32, #tpu.memory_space<vmem>>, vector<64x40xf32>
    tpu.vector_store %arg9[%swap3A, %swap3A_66], %add3A_65 {strides = array<i32>} : memref<64x40xf32, #tpu.memory_space<vmem>>, vector<64x40xf32>,
    return
  }
}

</mosaic_0001>

<sc_bundles>
// kernel: kernel.11.cloned.1.call-start
scs
__scs_entry_jumppad:
0x0: {  	(pc) =	sbr.rel $0x88, $3  }
0x1: {  	(tag) =	ssettag $0x0;
	lr =	simm.s32 $0x1  }
0x2: {  	[smem:$0x3F94] =	sst lr;
	_ =	strace $0xD0000000  }
0x3: {  	_ = 	snop  }
0x4: {  	_ = 	snop  }
0x5: {  	_ = 	snop  }
0x6: {  	_ = 	snop  }
0x7: {  	_ = 	snop  }
__scs_overlays_trampoline_lowered:
0x8: {  	[smem:$0x3FA3] =	sst s0  }
0x9: {  	[smem:$0x3FA4] =	sst s1  }
0xa: {  	[smem:$0x3FA5] =	sst s2  }
0xb: {  	[smem:$0x3FA6] =	sst s3  }
0xc: {  	[smem:$0x3FA7] =	sst s4  }
0xd: {  	[smem:$0x3FA8] =	sst s5  }
0xe: {  	[smem:$0x3FA9] =	sst s6  }
0xf: {  	[smem:$0x3FAA] =	sst s7  }
0x10: {  	[smem:$0x3FAB] =	sst s8  }
0x11: {  	[smem:$0x3FAC] =	sst s9;
	s0 =	simm.s32 @!p0 $0x0  }
0x12: {  	s1 =	sld [smem:$0x3F92];
	s0 =	simm.s32 @p0 $0x1  }
0x13: {  	[smem:$0x3FAD] =	sst s0;
	s0 =	simm.s32 @!p1 $0x0  }
0x14: {  	s2 =	sld [smem:$0x3F91];
	s0 =	simm.s32 @p1 $0x1  }
0x15: {  	[smem:$0x3FAE] =	sst s0;
	s0 =	simm.s32 @!p2 $0x0  }
0x16: {  	s3 =	sld [smem:$0x3FDB];
	s0 =	simm.s32 @p2 $0x1  }
0x17: {  	s4 =	simm.s32 $0x1BF5;
	[smem:$0x3FB0] =	sst s0  }
0x18: {  	s0 =	sld [smem:$0x3F93];
	_ =	swait.ge [sflag:s4], $0x0  }
0x19: {  	s7 =	sld [smem:$0x3F94]  }
0x1a: {  	s8 =	sadd.s32 $0xFFFFE003, lr  }
0x1b: {  	s9 =	sadd.s32 $0xFFFFFEF7, lr;
	s5 =	simm.s32 $0xFFFFFFFF;
	p2 =	slt.u32 s8, $0xFFFFF086  }
0x1c: {  	p1 =	slt.u32 s9, $0xF7A;
	s5 =	simm.s32 @!p2 $0x0  }
0x1d: {  	s5 =	simm.s32 @p1 $0x1;
	p0 =	seq.s32 s7, s2  }
0x1e: {  	s7 =	smul.u32 @!p0 $0xF7A, s2;
	p2 =	seq.s32 @!p0 s5, $0x0  }
0x1f: {  	s9 =	smul.u32 $0xF7A, s1;
	s8 =	simm.s32 @!p0 $0x1BF5;
	p2 =	por !p2, p0  }
0x20: {  	[sflag:s8] =	ssyncset.s32 @!p0 $0xFFFFF086;
	s6 =	sadd.s32 @!p0 s3, s7;
	s7 =	simm.s32 @!p0 $0x108  }
0x21: {  	s3 =	sadd.s32 s3, s9;
	s6 =	sadd.s32 @!p0 $0x88, s6;
	s7 =	simm.s32 @p2 $0x1082  }
0x22: {  	[simem:s7], [sflag:s8] =	dma.local @!p0 [hbm:s6], $0xF7A  }
0x23: {  	s9 =	sor.u32 $0xD0000000, s2;
	s6 =	simm.s32 $0x108;
	_ =	swait.ge @!p0 [sflag:s8], $0x0  }
0x24: {  	s3 =	sadd.s32 $0x88, s3;
	s6 =	simm.s32 @!p1 $0x1082;
	[sflag:s4] =	ssyncset.s32 $0xFFFFF086  }
0x25: {  	[simem:s6], [sflag:s4] =	dma.local [hbm:s3], $0xF7A  }
0x26: {  	[smem:$0x3F94] =	sst s1;
	(tag) =	ssettag s2;
	_ =	strace s9  }
0x27: {  	s1 =	sld [smem:$0x3FA4]  }
0x28: {  	s2 =	sld [smem:$0x3FA5]  }
0x29: {  	s4 =	sld [smem:$0x3FA7]  }
0x2a: {  	p0 =	seq.s32 s5, $0x0;
	s5 =	sld [smem:$0x3FA8]  }
0x2b: {  	s6 =	sld [smem:$0x3FA9]  }
0x2c: {  	s7 =	sld [smem:$0x3FAA]  }
0x2d: {  	s3 =	simm.s32 $0x108;
	s8 =	sld [smem:$0x3FAB]  }
0x2e: {  	s3 =	simm.s32 @!p0 $0x1082;
	s9 =	sld [smem:$0x3FAC]  }
0x2f: {  	lr =	sadd.s32 s0, s3;
	s0 =	sld [smem:$0x3FA3]  }
0x30: {  	s3 =	sld [smem:$0x3FA6]  }
0x31: {  	[smem:$0x3FAF] =	sst s10  }
0x32: {  	s10 =	sld [smem:$0x3FAD];
	_ =	sdelay $0x3  }
0x33: {  	p0 =	seq.s32 s10, $0x1;
	s10 =	sld [smem:$0x3FAF];
	_ =	sdelay $0x3  }
0x34: {  	[smem:$0x3FAF] =	sst s10  }
0x35: {  	s10 =	sld [smem:$0x3FAE];
	_ =	sdelay $0x3  }
0x36: {  	p1 =	seq.s32 s10, $0x1;
	s10 =	sld [smem:$0x3FAF];
	_ =	sdelay $0x3  }
0x37: {  	[smem:$0x3FAF] =	sst s10  }
0x38: {  	s10 =	sld [smem:$0x3FB0]  }
0x39: {  	_ = 	snop;
	(pc) =	sbr.ind lr, $3  }
0x3a: {  	_ = 	snop  }
0x3b: {  	_ = 	snop  }
0x3c: {  	p2 =	seq.s32 s10, $0x1;
	s10 =	sld [smem:$0x3FAF]  }
0x3d: {  	_ =	shalt  }
0x3e: {  	_ =	shalt  }
0x3f: {  	_ =	shalt  }
0x40: {  	_ =	shalt  }
0x41: {  	_ =	shalt  }
0x42: {  	_ =	shalt  }
0x43: {  	_ =	shalt  }
0x44: {  	_ =	shalt  }
0x45: {  	_ =	shalt  }
0x46: {  	_ =	shalt  }
0x47: {  	_ =	shalt  }
0x48: {  	_ =	shalt  }
0x49: {  	_ =	shalt  }
0x4a: {  	_ =	shalt  }
0x4b: {  	_ =	shalt  }
0x4c: {  	_ =	shalt  }
0x4d: {  	_ =	shalt  }
0x4e: {  	_ =	shalt  }
0x4f: {  	_ =	shalt  }
0x50: {  	_ =	shalt  }
0x51: {  	_ =	shalt  }
0x52: {  	_ =	shalt  }
0x53: {  	_ =	shalt  }
0x54: {  	_ =	shalt  }
0x55: {  	_ =	shalt  }
0x56: {  	_ =	shalt  }
0x57: {  	_ =	shalt  }
0x58: {  	_ =	shalt  }
0x59: {  	_ =	shalt  }
0x5a: {  	_ =	shalt  }
0x5b: {  	_ =	shalt  }
0x5c: {  	_ =	shalt  }
0x5d: {  	_ =	shalt  }
0x5e: {  	_ =	shalt  }
0x5f: {  	_ =	shalt  }
0x60: {  	_ =	shalt  }
0x61: {  	_ =	shalt  }
0x62: {  	_ =	shalt  }
0x63: {  	_ =	shalt  }
0x64: {  	_ =	shalt  }
0x65: {  	_ =	shalt  }
0x66: {  	_ =	shalt  }
0x67: {  	_ =	shalt  }
0x68: {  	_ =	shalt  }
0x69: {  	_ =	shalt  }
0x6a: {  	_ =	shalt  }
0x6b: {  	_ =	shalt  }
0x6c: {  	_ =	shalt  }
0x6d: {  	_ =	shalt  }
0x6e: {  	_ =	shalt  }
0x6f: {  	_ =	shalt  }
0x70: {  	_ =	shalt  }
0x71: {  	_ =	shalt  }
0x72: {  	_ =	shalt  }
0x73: {  	_ =	shalt  }
0x74: {  	_ =	shalt  }
0x75: {  	_ =	shalt  }
0x76: {  	_ =	shalt  }
0x77: {  	_ =	shalt  }
0x78: {  	_ =	shalt  }
0x79: {  	_ =	shalt  }
0x7a: {  	_ =	shalt  }
0x7b: {  	_ =	shalt  }
0x7c: {  	_ =	shalt  }
0x7d: {  	_ =	shalt  }
0x7e: {  	_ =	shalt  }
0x7f: {  	_ =	shalt  }
0x80: {  	_ =	shalt  }
0x81: {  	_ =	shalt  }
0x82: {  	_ =	shalt  }
0x83: {  	_ =	shalt  }
0x84: {  	_ =	shalt  }
0x85: {  	_ =	shalt  }
0x86: {  	_ =	shalt  }
0x87: {  	_ =	shalt  }
.Lfunc_end0:
.L_simem_size_0:
called_computation.1_lowered:
.L_overlay_start_0:
0x88: {  	s2 =	sld [smem:$0x3FD9]  }
0x89: {  	s3 =	sld [smem:$0x3FFE];
	_ =	sdelay $0x1  }
0x8a: {  	s1 =	srdreg.scid  }
0x8b: {  	s0 =	sand.u32 $0x1, s1  }
0x8c: {  	s16 =	sshll.u32 s0, $0xA;
	s2 =	sadd.s32 s3, s2  }
0x8d: {  	s2 =	sadd.s32 s2, s16  }
0x8e: {  	[smem:$0x3FBB] =	sst s2  }
0x8f: {  	_ = 	snop  }
0x90: {  	(tm) =	ssettm $0x1  }
0x91: {  	s17 =	sld [smem:$0x3FFB];
	_ =	sdelay $0x3  }
0x92: {  	_ =	strace s17  }
0x93: {  	s2 =	sld [smem:$0x3FFC];
	_ =	sdelay $0x3  }
0x94: {  	_ =	strace s2  }
0x95: {  	s2 =	sld [smem:$0x3FFD];
	_ =	sdelay $0x3  }
0x96: {  	_ =	strace s2  }
0x97: {  	_ =	strace $0x8FFFFFFF  }
0x98: {  	s18 =	sld [smem:$0x3FDB];
	_ =	sdelay $0x1  }
0x99: {  	s19 =	simm.s32 $_scs_section_size  }
0x9a: {  	s4 =	simm.s32 $_size__tile_overlayer_lowered;
	s5 =	simm.s32 $_tile_overlayer_lowered  }
0x9b: {  	s22 =	simm.s32 $0x1BFF;
	s21 =	sshll.u32 s5, $0x1;
	s2 =	sadd.s32 s19, s18  }
0x9c: {  	s6 =	simm.s32 $0x0;
	s20 =	sshll.u32 s4, $0x1;
	s4 =	sadd.s32 s21, s2  }
0x9d: {  	[timem:s6], [sflag:s22] =	dma.local [hbm:s4], s20  }
0x9e: {  	_ =	swait.ge [sflag:s22], s20  }
0x9f: {  	s3 =	ssub.s32 $0x0, s20;
	[sflag:s22] =	ssyncset.done $0x0  }
0xa0: {  	[sflag:s22] =	ssyncadd.s32 s3;
	_ =	sdelay $0x1  }
0xa1: {  	s23 =	simm.s32 $0x1B8B  }
0xa2: {  	_ =	swait.ge [sflag:s23], $0x1  }
0xa3: {  	[sflag:s23] =	ssyncset.done $0x0  }
0xa4: {  	s25 =	simm.s32 $0x1B8E;
	s24 =	sld [smem:$0x3FFE];
	[sflag:s23] =	ssyncadd.s32 $0xFFFFFFFF  }
0xa5: {  	s26 =	simm.s32 $execute0_lowered;
	[smem:$0x3FD2] =	sst s25  }
0xa6: {  	s4 =	sshll.u32 s26, $0x1;
	_ =	strace $0x80000049;
	[dreg:$0x1] =	wrdreg $0xFFFFFFFF  }
0xa7: {  	s28 =	simm.s32 $_size_execute0_lowered;
	s2 =	sadd.s32 s2, s4;
	[dreg:$0x0] =	wrdreg $0x0  }
0xa8: {  	s4 =	sshll.u32 s28, $0x1;
	[dreg:$0x2] =	wrdreg s2  }
0xa9: {  	[dreg:$0x3] =	wrdreg s4  }
0xaa: {  	[dreg:$0x4] =	wrdreg $0xC0  }
0xab: {  	_ =	task [dreg:s6], $0x5FFFF  }
0xac: {  	[dreg:$0x1] =	wrdreg $0xFFFFFFFF  }
0xad: {  	[dreg:$0x0] =	wrdreg $0x60  }
0xae: {  	[dreg:$0x2] =	wrdreg s24  }
0xaf: {  	[dreg:$0x3] =	wrdreg $0x9  }
0xb0: {  	_ =	task.clear_ibuf [dreg:s6], $0x4FFFF;
	_ =	strace $0x90000049  }
0xb1: {  	s29 =	simm.s32 $0x9;
	_ =	strace $0x8000004B  }
0xb2: {  	_ =	swait.ge [sflag:s29], $0x1  }
0xb3: {  	[sflag:s29] =	ssyncadd.s32 $0xFFFFFFFF  }
0xb4: {  	_ =	strace $0x9000004B  }
0xb5: {  	_ =	sfence  }
0xb6: {  	s30 =	sld [smem:$0x0];
	_ =	sdelay $0x2  }
0xb7: {  	s31 =	sshll.u32 s1, $0xD;
	s1 =	sshrl.u32 s1, $0x2  }
0xb8: {  	s3 =	sand.u32 $0x4000, s31;
	s1 =	sadd.s32 s1, s30  }
0xb9: {  	s0 =	sor.u32 s3, s0;
	s1 =	sshll.u32 s1, $0x11  }
0xba: {  	s0 =	sor.u32 s1, s0  }
0xbb: {  	s0 =	sadd.s32 $0x8F2B, s0  }
0xbc: {  	[sflag:s0] =	ssyncadd.remote.s32 $0x1  }
0xbd: {  	_ =	sfence.sel $0xFFFF  }
0xbe: {  	[dreg:$0x0] =	wrdreg $0xFFFFFFFF;
	(pc) =	sbr.abs _section_cstart, $3  }
0xbf: {  	[dreg:$0x1] =	wrdreg $0xFFFFFFFF  }
0xc0: {  	_ =	task.clear_ibuf [dreg:s6], $0x2FFFF;
	_ =	strace $0x9FFFFFFF  }
0xc1: {  	(tm) =	ssettm $0x7FFFFFFF  }
tec
execute0_lowered:
.L_overlay_start_1:
0x0: {  	(tag) =	ssettag $0x1  }
0x1: {  	s1 =	srdreg.scid  }
0x2: {  	s0 =	stileid.u32;
	s4 =	rddreg [dreg:$0x0]  }
0x3: {  	s2 =	simm.s32 $0x0;
	s7 =	simm.s32 $0x13900;
	s8 =	simm.s32 $0x1  }
0x4: {  	s9 =	simm.s32 $0x2;
	s10 =	simm.s32 $0x18780;
	s11 =	simm.s32 $0x9C80  }
0x5: {  	s12 =	simm.s32 $0x3;
	s3 =	sand.u32 $0x1, s1;
	s5 =	sshll.u32 s0, $0x1  }
0x6: {  	s13 =	simm.s32 $0x4;
	s14 =	simm.s32 $0x0;
	s5 =	sor.u32 s3, s5  }
0x7: {  	[smem:$0x7FF] =	sst s2;
	s6 =	ssub.s32 $0x2, s3;
	s5 =	smul.u32 $0x1388, s5  }
0x8: {  	s1 =	rddreg [dreg:$0x1];
	_ =	strace $0x8000004A;
	s31 =	sshrl.u32 s6, $0x1  }
0x9: {  	s3 =	sadd.s32 $0x29A00, s4;
	s6 =	ssub.s32 s6, s31;
	s5 =	sadd.s32 s5, s4  }
0xa: {  	v0 =	vimm.f32 $0.0e+00;
	s6 =	smax.u32 s6, $0x1;
	s4 =	sadd.s32 $0x2800, s5;
	s5 =	sadd.s32 $0x33800, s5  }
.LBB2_1:
0xb: {  	[tilespmem:s2], [sflag:$0x1] =	stream.linear.gather [hbm4b:s4+s2], $0x9C40, $0x38;
	[tilespmem:$0x1D600] =	vst v63  }
0xc: {  	s15 =	simm.s32 $0x9CC0  }
0xd: {  	[tilespmem:s7], [sflag:$0x2] =	stream.linear.gather [hbm4b:s3+s2], $0x4E20, $0x38;
	[tilespmem:$0x1D600] =	vst v63  }
0xe: {  	[tilespmem:s15+$0xFFFFFFC0] =	vst v0  }
0xf: {  	[tilespmem:s15+$0x30] =	vst v0  }
0x10: {  	[tilespmem:s15+$0x20] =	vst v0  }
0x11: {  	[tilespmem:s15+$0x10] =	vst v0  }
0x12: {  	[tilespmem:s15+$0x0] =	vst v0  }
0x13: {  	[tilespmem:s15+$0xFFFFFFF0] =	vst v0  }
0x14: {  	s16 =	simm.s32 $0x0;
	[tilespmem:s15+$0xFFFFFFE0] =	vst v0  }
.LBB2_2:
0x15: {  	s16 =	sadd.s32 $0x8, s16;
	[tilespmem:s15+$0xFFFFFFD0] =	vst v0;
	s15 =	sadd.s32 $0x80, s15  }
0x16: {  	[tilespmem:s15+$0xFFFFFFC0] =	vst v0;
	p0 =	slt.u32 s16, $0x9B8  }
0x17: {  	[tilespmem:s15+$0x30] =	vst v0  }
.Ltmp0:
0x18: {  	[tilespmem:s15+$0x20] =	vst v0;
	(pc) =	sbr.rel @p0 .LBB2_2-.Ltmp0, $4  }
0x19: {  	[tilespmem:s15+$0x10] =	vst v0  }
0x1a: {  	[tilespmem:s15+$0x0] =	vst v0  }
0x1b: {  	[tilespmem:s15+$0xFFFFFFF0] =	vst v0  }
0x1c: {  	[tilespmem:s15+$0xFFFFFFE0] =	vst v0  }
0x1d: {  	[tilespmem:s15+$0xFFFFFFD0] =	vst v0  }
0x1e: {  	[tilespmem:$0x13880] =	vst v0  }
0x1f: {  	[tilespmem:$0x13890] =	vst v0  }
0x20: {  	[tilespmem:$0x138A0] =	vst v0  }
0x21: {  	[tilespmem:$0x138B0] =	vst v0  }
0x22: {  	_ =	swait.ge [sflag:s8], $0x9C40  }
0x23: {  	[sflag:s8] =	ssyncset.done $0x0  }
0x24: {  	s15 =	simm.s32 $0x0;
	s16 =	simm.s32 $0x0;
	[sflag:s8] =	ssyncadd.s32 $0xFFFF63C0  }
.LBB2_4:
0x25: {  	s17 =	smul.u32 $0x9C40, s16;
	_ =	sdelay $0x1  }
0x26: {  	_ =	swait.ge [sflag:s9], $0x4E20;
	s18 =	sshrl.u32 s17, $0x3  }
0x27: {  	[sflag:s9] =	ssyncset.done $0x0;
	s18 =	sadd.s32 s3, s18  }
0x28: {  	s31 =	simm.s32 $0x13940;
	[sflag:s9] =	ssyncadd.s32 $0xFFFFB1E0;
	s18 =	sadd.s32 $0x9C4, s18  }
0x29: {  	[tilespmem:s10], [sflag:$0x3] =	stream.linear.gather [hbm4b:s18+s2], $0x4E20, $0x38;
	[tilespmem:$0x1D600] =	vst v63  }
0x2a: {  	v1 =	vld [tilespmem:s31+$0x30]  }
0x2b: {  	v2 =	vld [tilespmem:s31+$0xFFFFFFD0]  }
0x2c: {  	v3 =	vld [tilespmem:s31+$0xFFFFFFE0]  }
0x2d: {  	v4 =	vld [tilespmem:s31+$0xFFFFFFF0]  }
0x2e: {  	v5 =	vld [tilespmem:s31+$0x0]  }
0x2f: {  	v6 =	vld [tilespmem:s31+$0x10];
	v7 =	vand.u32 $0xFFFF, v1  }
0x30: {  	v10 =	vld [tilespmem:s31+$0xFFFFFFC0];
	v8 =	vand.u32 $0xFFFF, v2  }
0x31: {  	v12 =	vld [tilespmem:s31+$0x20];
	v9 =	vand.u32 $0xFFFF, v3  }
0x32: {  	v11 =	vand.u32 $0xFFFF, v4  }
0x33: {  	v13 =	vand.u32 $0xFFFF, v5  }
0x34: {  	v14 =	vand.u32 $0xFFFF, v6;
	v15 =	vld.idx.msk [tilespmem:v7+s15+$0x0], $0xffff  }
0x35: {  	v19 =	vand.u32 $0xFFFF, v10;
	v16 =	vld.idx.msk [tilespmem:v8+s15+$0x0], $0xffff  }
0x36: {  	v21 =	vand.u32 $0xFFFF, v12;
	v17 =	vld.idx.msk [tilespmem:v9+s15+$0x0], $0xffff  }
0x37: {  	v1 =	vshrl.u32 v1, $0x10;
	v20 =	vld.idx.msk [tilespmem:v11+s15+$0x0], $0xffff  }
0x38: {  	v2 =	vshrl.u32 v2, $0x10;
	v22 =	vld.idx.msk [tilespmem:v13+s15+$0x0], $0xffff  }
0x39: {  	v3 =	vshrl.u32 v3, $0x10;
	v23 =	vld.idx.msk [tilespmem:v14+s15+$0x0], $0xffff  }
0x3a: {  	v4 =	vshrl.u32 v4, $0x10;
	v63 =	vld.idx.msk [tilespmem:v19+s15+$0x0], $0xffff  }
0x3b: {  	v10 =	vshrl.u32 v10, $0x10;
	v25 =	vld.idx.msk [tilespmem:v21+s15+$0x0], $0xffff  }
0x3c: {  	v5 =	vshrl.u32 v5, $0x10;
	[tilespmem:v1+s11+$0x0] =	vst.idx.add.f32.msk $0xffff, v15  }
0x3d: {  	v6 =	vshrl.u32 v6, $0x10;
	[tilespmem:v2+s11+$0x0] =	vst.idx.add.f32.msk $0xffff, v16  }
0x3e: {  	v12 =	vshrl.u32 v12, $0x10;
	[tilespmem:v3+s11+$0x0] =	vst.idx.add.f32.msk $0xffff, v17  }
0x3f: {  	v18 =	vadd.s32 $0x2710, v7;
	[tilespmem:v4+s11+$0x0] =	vst.idx.add.f32.msk $0xffff, v20  }
0x40: {  	v31 =	vadd.s32 $0x2710, v8;
	[tilespmem:v10+s11+$0x0] =	vst.idx.add.f32.msk $0xffff, v63  }
0x41: {  	v32 =	vadd.s32 $0x2710, v9;
	[tilespmem:v5+s11+$0x0] =	vst.idx.add.f32.msk $0xffff, v22  }
0x42: {  	v33 =	vadd.s32 $0x2710, v11;
	[tilespmem:v6+s11+$0x0] =	vst.idx.add.f32.msk $0xffff, v23  }
0x43: {  	v34 =	vadd.s32 $0x2710, v13;
	[tilespmem:v12+s11+$0x0] =	vst.idx.add.f32.msk $0xffff, v25  }
0x44: {  	v35 =	vadd.s32 $0x2710, v14;
	v15 =	vld.idx.msk [tilespmem:v18+s15+$0x0], $0xffff  }
0x45: {  	v24 =	vadd.s32 $0x2710, v1;
	v36 =	vld.idx.msk [tilespmem:v31+s15+$0x0], $0xffff  }
0x46: {  	v28 =	vadd.s32 $0x2710, v19;
	v20 =	vld.idx.msk [tilespmem:v32+s15+$0x0], $0xffff  }
0x47: {  	v26 =	vadd.s32 $0x4E20, v7;
	v22 =	vld.idx.msk [tilespmem:v33+s15+$0x0], $0xffff  }
0x48: {  	v39 =	vadd.s32 $0x2710, v2;
	v23 =	vld.idx.msk [tilespmem:v34+s15+$0x0], $0xffff  }
0x49: {  	v40 =	vadd.s32 $0x2710, v3;
	v16 =	vld.idx.msk [tilespmem:v35+s15+$0x0], $0xffff  }
0x4a: {  	v27 =	vadd.s32 $0x2710, v4;
	[tilespmem:v24+s11+$0x0] =	vst.idx.add.f32.msk $0xffff, v15  }
0x4b: {  	v41 =	vadd.s32 $0x2710, v6;
	v15 =	vld.idx.msk [tilespmem:v28+s15+$0x0], $0xffff  }
0x4c: {  	v30 =	vadd.s32 $0x4E20, v1;
	v29 =	vld.idx.msk [tilespmem:v26+s15+$0x0], $0xffff  }
0x4d: {  	v7 =	vadd.s32 $0x7530, v7;
	[tilespmem:v39+s11+$0x0] =	vst.idx.add.f32.msk $0xffff, v36  }
0x4e: {  	v44 =	vadd.s32 $0x4E20, v8;
	[tilespmem:v40+s11+$0x0] =	vst.idx.add.f32.msk $0xffff, v20  }
0x4f: {  	v45 =	vadd.s32 $0x4E20, v9;
	[tilespmem:v27+s11+$0x0] =	vst.idx.add.f32.msk $0xffff, v22  }
0x50: {  	v38 =	vadd.s32 $0x2710, v10;
	[tilespmem:v41+s11+$0x0] =	vst.idx.add.f32.msk $0xffff, v16  }
0x51: {  	v43 =	vadd.s32 $0x4E20, v19;
	[tilespmem:v30+s11+$0x0] =	vst.idx.add.f32.msk $0xffff, v29  }
0x52: {  	v1 =	vadd.s32 $0x7530, v1;
	v7 =	vld.idx.msk [tilespmem:v7+s15+$0x0], $0xffff  }
0x53: {  	v37 =	vadd.s32 $0x2710, v21;
	v49 =	vld.idx.msk [tilespmem:v44+s15+$0x0], $0xffff  }
0x54: {  	v51 =	vadd.s32 $0x4E20, v2;
	v22 =	vld.idx.msk [tilespmem:v45+s15+$0x0], $0xffff  }
0x55: {  	v52 =	vadd.s32 $0x4E20, v3;
	[tilespmem:v38+s11+$0x0] =	vst.idx.add.f32.msk $0xffff, v15  }
0x56: {  	v8 =	vadd.s32 $0x7530, v8;
	v47 =	vld.idx.msk [tilespmem:v43+s15+$0x0], $0xffff  }
0x57: {  	[tilespmem:v1+s11+$0x0] =	vst.idx.add.f32.msk $0xffff, v7;
	v1 =	vadd.s32 $0x2710, v5  }
0x58: {  	v42 =	vadd.s32 $0x2710, v12;
	v7 =	vld.idx.msk [tilespmem:v37+s15+$0x0], $0xffff  }
0x59: {  	v50 =	vadd.s32 $0x4E20, v10;
	[tilespmem:v51+s11+$0x0] =	vst.idx.add.f32.msk $0xffff, v49  }
0x5a: {  	v57 =	vadd.s32 $0x7530, v19;
	[tilespmem:v52+s11+$0x0] =	vst.idx.add.f32.msk $0xffff, v22  }
0x5b: {  	v2 =	vadd.s32 $0x7530, v2;
	v8 =	vld.idx.msk [tilespmem:v8+s15+$0x0], $0xffff  }
0x5c: {  	[tilespmem:v1+s11+$0x0] =	vst.idx.add.f32.msk $0xffff, v23;
	v1 =	vadd.s32 $0x4E20, v11  }
0x5d: {  	[tilespmem:v42+s11+$0x0] =	vst.idx.add.f32.msk $0xffff, v7;
	v7 =	vadd.s32 $0x4E20, v14  }
0x5e: {  	v46 =	vadd.s32 $0x4E20, v13;
	[tilespmem:v50+s11+$0x0] =	vst.idx.add.f32.msk $0xffff, v47  }
0x5f: {  	v48 =	vadd.s32 $0x4E20, v21;
	v60 =	vld.idx.msk [tilespmem:v57+s15+$0x0], $0xffff  }
0x60: {  	v10 =	vadd.s32 $0x7530, v10;
	[tilespmem:v2+s11+$0x0] =	vst.idx.add.f32.msk $0xffff, v8  }
0x61: {  	v53 =	vadd.s32 $0x4E20, v4;
	v1 =	vld.idx.msk [tilespmem:v1+s15+$0x0], $0xffff  }
0x62: {  	v55 =	vadd.s32 $0x4E20, v6;
	v7 =	vld.idx.msk [tilespmem:v7+s15+$0x0], $0xffff  }
0x63: {  	v54 =	vadd.s32 $0x4E20, v5;
	v16 =	vld.idx.msk [tilespmem:v46+s15+$0x0], $0xffff  }
0x64: {  	v56 =	vadd.s32 $0x4E20, v12;
	v17 =	vld.idx.msk [tilespmem:v48+s15+$0x0], $0xffff  }
0x65: {  	v58 =	vadd.s32 $0x7530, v11;
	[tilespmem:v10+s11+$0x0] =	vst.idx.add.f32.msk $0xffff, v60  }
0x66: {  	[tilespmem:v53+s11+$0x0] =	vst.idx.add.f32.msk $0xffff, v1;
	v1 =	vadd.s32 $0x7530, v9  }
0x67: {  	[tilespmem:v55+s11+$0x0] =	vst.idx.add.f32.msk $0xffff, v7;
	v7 =	vadd.s32 $0x7530, v13  }
0x68: {  	v61 =	vadd.s32 $0x7530, v21;
	[tilespmem:v54+s11+$0x0] =	vst.idx.add.f32.msk $0xffff, v16  }
0x69: {  	v59 =	vadd.s32 $0x7530, v14;
	[tilespmem:v56+s11+$0x0] =	vst.idx.add.f32.msk $0xffff, v17  }
0x6a: {  	v63 =	vadd.s32 $0x7530, v4;
	v9 =	vld.idx.msk [tilespmem:v58+s15+$0x0], $0xffff  }
0x6b: {  	v62 =	vadd.s32 $0x7530, v3;
	v1 =	vld.idx.msk [tilespmem:v1+s15+$0x0], $0xffff  }
0x6c: {  	v5 =	vadd.s32 $0x7530, v5;
	v7 =	vld.idx.msk [tilespmem:v7+s15+$0x0], $0xffff  }
0x6d: {  	v3 =	vld.idx.msk [tilespmem:v61+s15+$0x0], $0xffff  }
0x6e: {  	v4 =	vld.idx.msk [tilespmem:v59+s15+$0x0], $0xffff  }
0x6f: {  	[tilespmem:v63+s11+$0x0] =	vst.idx.add.f32.msk $0xffff, v9  }
0x70: {  	[tilespmem:v62+s11+$0x0] =	vst.idx.add.f32.msk $0xffff, v1  }
0x71: {  	s19 =	simm.s32 $0x139C0;
	s18 =	simm.s32 $0x0;
	v2 =	vadd.s32 $0x7530, v6;
	v1 =	vadd.s32 $0x7530, v12;
	[tilespmem:v5+s11+$0x0] =	vst.idx.add.f32.msk $0xffff, v7  }
.LBB2_5:
0x72: {  	v5 =	vld [tilespmem:s19+$0x30];
	s18 =	sadd.s32 $0x8, s18  }
0x73: {  	v6 =	vld [tilespmem:s19+$0xFFFFFFD0];
	p0 =	slt.u32 s18, $0x4D8  }
0x74: {  	v7 =	vld [tilespmem:s19+$0xFFFFFFE0]  }
0x75: {  	v8 =	vld [tilespmem:s19+$0xFFFFFFF0]  }
0x76: {  	v9 =	vld [tilespmem:s19+$0x0]  }
0x77: {  	v10 =	vld [tilespmem:s19+$0x10];
	v11 =	vand.u32 $0xFFFF, v5  }
0x78: {  	v12 =	vand.u32 $0xFFFF, v6;
	v6 =	vshrl.u32 v6, $0x10;
	v13 =	vld [tilespmem:s19+$0x20]  }
0x79: {  	v14 =	vld [tilespmem:s19+$0xFFFFFFC0];
	v15 =	vadd.s32 $0x2710, v12;
	v16 =	vand.u32 $0xFFFF, v7;
	v7 =	vshrl.u32 v7, $0x10  }
0x7a: {  	v17 =	vadd.s32 $0x2710, v16;
	v18 =	vand.u32 $0xFFFF, v8;
	v8 =	vshrl.u32 v8, $0x10;
	[tilespmem:v2+s11+$0x0] =	vst.idx.add.f32.msk $0xffff, v4  }
0x7b: {  	s20 =	simm.s32 $0x0;
	v4 =	vadd.s32 $0x2710, v18;
	v2 =	vand.u32 $0xFFFF, v9;
	v9 =	vshrl.u32 v9, $0x10;
	[tilespmem:v1+s11+$0x0] =	vst.idx.add.f32.msk $0xffff, v3  }
0x7c: {  	v3 =	vadd.s32 $0x2710, v2;
	v1 =	vand.u32 $0xFFFF, v10;
	v10 =	vshrl.u32 v10, $0x10;
	v19 =	vld.idx.msk [tilespmem:v11+s20+$0x0], $0xffff  }
0x7d: {  	v5 =	vshrl.u32 v5, $0x10;
	v20 =	vld.idx.msk [tilespmem:v12+s20+$0x0], $0xffff;
	v21 =	vand.u32 $0xFFFF, v13;
	v13 =	vshrl.u32 v13, $0x10  }
0x7e: {  	v24 =	vadd.s32 $0x2710, v11;
	v22 =	vand.u32 $0xFFFF, v14;
	v14 =	vshrl.u32 v14, $0x10;
	v23 =	vld.idx.msk [tilespmem:v16+s20+$0x0], $0xffff  }
0x7f: {  	v27 =	vadd.s32 $0x2710, v1;
	v28 =	vadd.s32 $0x2710, v21;
	v25 =	vadd.s32 $0x2710, v22;
	v26 =	vld.idx.msk [tilespmem:v18+s20+$0x0], $0xffff  }
0x80: {  	v30 =	vadd.s32 $0x2710, v6;
	v31 =	vadd.s32 $0x2710, v7;
	v29 =	vadd.s32 $0x2710, v14;
	v32 =	vld.idx.msk [tilespmem:v2+s20+$0x0], $0xffff  }
0x81: {  	v33 =	vadd.s32 $0x2710, v8;
	v34 =	vadd.s32 $0x2710, v9;
	v36 =	vadd.s32 $0x2710, v10;
	v35 =	vld.idx.msk [tilespmem:v1+s20+$0x0], $0xffff  }
0x82: {  	v38 =	vadd.s32 $0x4E20, v12;
	v39 =	vadd.s32 $0x2710, v13;
	v37 =	vadd.s32 $0x4E20, v22;
	[tilespmem:v5+s11+$0x0] =	vst.idx.add.f32.msk $0xffff, v19  }
0x83: {  	v40 =	vadd.s32 $0x4E20, v18;
	v41 =	vadd.s32 $0x4E20, v2;
	v19 =	vadd.s32 $0x4E20, v16;
	v24 =	vld.idx.msk [tilespmem:v24+s20+$0x0], $0xffff  }
0x84: {  	v45 =	vadd.s32 $0x2710, v5;
	v43 =	vadd.s32 $0x4E20, v1;
	v44 =	vadd.s32 $0x4E20, v21;
	v42 =	vld.idx.msk [tilespmem:v22+s20+$0x0], $0xffff  }
0x85: {  	v49 =	vadd.s32 $0x4E20, v11;
	v47 =	vadd.s32 $0x4E20, v6;
	v46 =	vadd.s32 $0x4E20, v14;
	v48 =	vld.idx.msk [tilespmem:v21+s20+$0x0], $0xffff  }
0x86: {  	v50 =	vadd.s32 $0x4E20, v8;
	v51 =	vadd.s32 $0x4E20, v9;
	[tilespmem:v6+s11+$0x0] =	vst.idx.add.f32.msk $0xffff, v20;
	v20 =	vadd.s32 $0x4E20, v7  }
0x87: {  	v52 =	vadd.s32 $0x4E20, v13;
	v22 =	vadd.s32 $0x7530, v22;
	[tilespmem:v7+s11+$0x0] =	vst.idx.add.f32.msk $0xffff, v23;
	v23 =	vadd.s32 $0x4E20, v10  }
0x88: {  	v12 =	vadd.s32 $0x7530, v12;
	v18 =	vadd.s32 $0x7530, v18;
	v16 =	vadd.s32 $0x7530, v16;
	[tilespmem:v8+s11+$0x0] =	vst.idx.add.f32.msk $0xffff, v26  }
0x89: {  	v53 =	vadd.s32 $0x7530, v1;
	v21 =	vadd.s32 $0x7530, v21;
	v26 =	vadd.s32 $0x7530, v2;
	[tilespmem:v45+s11+$0x0] =	vst.idx.add.f32.msk $0xffff, v24  }
0x8a: {  	v6 =	vadd.s32 $0x7530, v6;
	v7 =	vadd.s32 $0x7530, v7;
	v24 =	vadd.s32 $0x7530, v14;
	v45 =	vld.idx.msk [tilespmem:v49+s20+$0x0], $0xffff  }
0x8b: {  	v8 =	vadd.s32 $0x7530, v8;
	[tilespmem:v14+s11+$0x0] =	vst.idx.add.f32.msk $0xffff, v42;
	v14 =	vadd.s32 $0x7530, v9;
	v42 =	vadd.s32 $0x4E20, v5  }
0x8c: {  	v1 =	vadd.s32 $0x7530, v13;
	v2 =	vadd.s32 $0x7530, v10;
	[tilespmem:v9+s11+$0x0] =	vst.idx.add.f32.msk $0xffff, v32;
	v9 =	vadd.s32 $0x7530, v11  }
0x8d: {  	[tilespmem:v10+s11+$0x0] =	vst.idx.add.f32.msk $0xffff, v35  }
0x8e: {  	[tilespmem:v13+s11+$0x0] =	vst.idx.add.f32.msk $0xffff, v48  }
0x8f: {  	v10 =	vld.idx.msk [tilespmem:v25+s20+$0x0], $0xffff  }
0x90: {  	[tilespmem:v42+s11+$0x0] =	vst.idx.add.f32.msk $0xffff, v45  }
0x91: {  	v9 =	vld.idx.msk [tilespmem:v9+s20+$0x0], $0xffff  }
0x92: {  	v5 =	vadd.s32 $0x7530, v5;
	v11 =	vld.idx.msk [tilespmem:v15+s20+$0x0], $0xffff  }
0x93: {  	v13 =	vld.idx.msk [tilespmem:v17+s20+$0x0], $0xffff  }
0x94: {  	v4 =	vld.idx.msk [tilespmem:v4+s20+$0x0], $0xffff  }
0x95: {  	v3 =	vld.idx.msk [tilespmem:v3+s20+$0x0], $0xffff  }
0x96: {  	v15 =	vld.idx.msk [tilespmem:v27+s20+$0x0], $0xffff  }
0x97: {  	[tilespmem:v5+s11+$0x0] =	vst.idx.add.f32.msk $0xffff, v9  }
0x98: {  	v5 =	vld.idx.msk [tilespmem:v28+s20+$0x0], $0xffff  }
0x99: {  	[tilespmem:v29+s11+$0x0] =	vst.idx.add.f32.msk $0xffff, v10  }
0x9a: {  	[tilespmem:v30+s11+$0x0] =	vst.idx.add.f32.msk $0xffff, v11  }
0x9b: {  	[tilespmem:v31+s11+$0x0] =	vst.idx.add.f32.msk $0xffff, v13  }
0x9c: {  	[tilespmem:v33+s11+$0x0] =	vst.idx.add.f32.msk $0xffff, v4  }
0x9d: {  	[tilespmem:v34+s11+$0x0] =	vst.idx.add.f32.msk $0xffff, v3  }
0x9e: {  	[tilespmem:v36+s11+$0x0] =	vst.idx.add.f32.msk $0xffff, v15  }
0x9f: {  	[tilespmem:v39+s11+$0x0] =	vst.idx.add.f32.msk $0xffff, v5  }
0xa0: {  	v3 =	vld.idx.msk [tilespmem:v37+s20+$0x0], $0xffff  }
0xa1: {  	v4 =	vld.idx.msk [tilespmem:v38+s20+$0x0], $0xffff  }
0xa2: {  	v5 =	vld.idx.msk [tilespmem:v19+s20+$0x0], $0xffff  }
0xa3: {  	v9 =	vld.idx.msk [tilespmem:v40+s20+$0x0], $0xffff  }
0xa4: {  	v10 =	vld.idx.msk [tilespmem:v41+s20+$0x0], $0xffff  }
0xa5: {  	v11 =	vld.idx.msk [tilespmem:v43+s20+$0x0], $0xffff  }
0xa6: {  	v13 =	vld.idx.msk [tilespmem:v44+s20+$0x0], $0xffff  }
0xa7: {  	[tilespmem:v46+s11+$0x0] =	vst.idx.add.f32.msk $0xffff, v3  }
0xa8: {  	[tilespmem:v47+s11+$0x0] =	vst.idx.add.f32.msk $0xffff, v4  }
0xa9: {  	[tilespmem:v20+s11+$0x0] =	vst.idx.add.f32.msk $0xffff, v5  }
0xaa: {  	[tilespmem:v50+s11+$0x0] =	vst.idx.add.f32.msk $0xffff, v9  }
0xab: {  	[tilespmem:v51+s11+$0x0] =	vst.idx.add.f32.msk $0xffff, v10  }
0xac: {  	[tilespmem:v23+s11+$0x0] =	vst.idx.add.f32.msk $0xffff, v11  }
0xad: {  	[tilespmem:v52+s11+$0x0] =	vst.idx.add.f32.msk $0xffff, v13  }
0xae: {  	v5 =	vld.idx.msk [tilespmem:v22+s20+$0x0], $0xffff  }
0xaf: {  	v9 =	vld.idx.msk [tilespmem:v12+s20+$0x0], $0xffff  }
0xb0: {  	v10 =	vld.idx.msk [tilespmem:v16+s20+$0x0], $0xffff  }
0xb1: {  	v11 =	vld.idx.msk [tilespmem:v18+s20+$0x0], $0xffff  }
0xb2: {  	v12 =	vld.idx.msk [tilespmem:v26+s20+$0x0], $0xffff  }
0xb3: {  	v4 =	vld.idx.msk [tilespmem:v53+s20+$0x0], $0xffff  }
0xb4: {  	v3 =	vld.idx.msk [tilespmem:v21+s20+$0x0], $0xffff  }
.Ltmp1:
0xb5: {  	[tilespmem:v24+s11+$0x0] =	vst.idx.add.f32.msk $0xffff, v5;
	(pc) =	sbr.rel @p0 .LBB2_5-.Ltmp1, $4  }
0xb6: {  	[tilespmem:v6+s11+$0x0] =	vst.idx.add.f32.msk $0xffff, v9  }
0xb7: {  	[tilespmem:v7+s11+$0x0] =	vst.idx.add.f32.msk $0xffff, v10  }
0xb8: {  	[tilespmem:v8+s11+$0x0] =	vst.idx.add.f32.msk $0xffff, v11  }
0xb9: {  	s19 =	sadd.s32 $0x80, s19;
	[tilespmem:v14+s11+$0x0] =	vst.idx.add.f32.msk $0xffff, v12  }
0xba: {  	_ =	sdelay $0x3  }
0xbb: {  	[tilespmem:v2+s11+$0x0] =	vst.idx.add.f32.msk $0xffff, v4  }
0xbc: {  	[tilespmem:v1+s11+$0x0] =	vst.idx.add.f32.msk $0xffff, v3  }
.LBB2_7:
0xbd: {  	s18 =	sshra.s32 s20, $0x2  }
0xbe: {  	v1 =	vld [tilespmem:s18+$0x18700];
	_ =	sdelay $0x4  }
0xbf: {  	v2 =	vand.u32 $0xFFFF, v1;
	_ =	sdelay $0x4  }
0xc0: {  	v1 =	vshrl.u32 v1, $0x10;
	v3 =	vld.idx.msk [tilespmem:v2+s2+$0x0], $0xffff  }
0xc1: {  	v4 =	vadd.s32 $0x2710, v2;
	_ =	sdelay $0x3  }
0xc2: {  	[tilespmem:v1+s11+$0x0] =	vst.idx.add.f32.msk $0xffff, v3  }
0xc3: {  	v62 =	vadd.s32 $0x2710, v1;
	v3 =	vld.idx.msk [tilespmem:v4+s2+$0x0], $0xffff  }
0xc4: {  	v5 =	vadd.s32 $0x4E20, v2;
	_ =	sdelay $0x3  }
0xc5: {  	[tilespmem:v62+s11+$0x0] =	vst.idx.add.f32.msk $0xffff, v3  }
0xc6: {  	v63 =	vadd.s32 $0x4E20, v1;
	v3 =	vld.idx.msk [tilespmem:v5+s2+$0x0], $0xffff  }
0xc7: {  	v2 =	vadd.s32 $0x7530, v2;
	_ =	sdelay $0x3  }
0xc8: {  	[tilespmem:v63+s11+$0x0] =	vst.idx.add.f32.msk $0xffff, v3  }
0xc9: {  	p0 =	sne.s32 s20, $0x40;
	v1 =	vadd.s32 $0x7530, v1;
	v2 =	vld.idx.msk [tilespmem:v2+s2+$0x0], $0xffff  }
.Ltmp2:
0xca: {  	_ = 	snop;
	(pc) =	sbr.rel @p0 .LBB2_7-.Ltmp2, $2  }
0xcb: {  	_ =	sdelay $0x2  }
0xcc: {  	s20 =	sadd.s32 $0x40, s20;
	[tilespmem:v1+s11+$0x0] =	vst.idx.add.f32.msk $0xffff, v2  }
0xcd: {  	p0 =	seq.s32 s16, $0x7  }
0xce: {  	_ =	swait.ge [sflag:s12], $0x4E20;
	s31 =	simm.s32 $0x187C0;
	s17 =	sshrl.u32 @!p0 s17, $0x3  }
0xcf: {  	[sflag:s12] =	ssyncset.done $0x0;
	s18 =	simm.s32 @!p0 $0x0;
	s17 =	sadd.s32 @!p0 s3, s17  }
0xd0: {  	s19 =	simm.s32 @!p0 $0x13900;
	[sflag:s12] =	ssyncadd.s32 $0xFFFFB1E0;
	s17 =	sadd.s32 @!p0 $0x1388, s17  }
0xd1: {  	[tilespmem:s19], [sflag:$0x2] =	stream.linear.gather @!p0 [hbm4b:s17+s18], $0x4E20, $0x38;
	[tilespmem:$0x1D600] =	vst v63  }
0xd2: {  	v1 =	vld [tilespmem:s31+$0x30]  }
0xd3: {  	v2 =	vld [tilespmem:s31+$0xFFFFFFD0]  }
0xd4: {  	v3 =	vld [tilespmem:s31+$0xFFFFFFE0]  }
0xd5: {  	v4 =	vld [tilespmem:s31+$0xFFFFFFF0]  }
0xd6: {  	v5 =	vld [tilespmem:s31+$0x0]  }
0xd7: {  	v6 =	vld [tilespmem:s31+$0x10];
	v7 =	vand.u32 $0xFFFF, v1  }
0xd8: {  	v10 =	vld [tilespmem:s31+$0xFFFFFFC0];
	v8 =	vand.u32 $0xFFFF, v2  }
0xd9: {  	v12 =	vld [tilespmem:s31+$0x20];
	v9 =	vand.u32 $0xFFFF, v3  }
0xda: {  	v11 =	vand.u32 $0xFFFF, v4  }
0xdb: {  	s17 =	simm.s32 $0x0;
	v13 =	vand.u32 $0xFFFF, v5  }
0xdc: {  	v14 =	vand.u32 $0xFFFF, v6;
	v15 =	vld.idx.msk [tilespmem:v7+s17+$0x0], $0xffff  }
0xdd: {  	v19 =	vand.u32 $0xFFFF, v10;
	v16 =	vld.idx.msk [tilespmem:v8+s17+$0x0], $0xffff  }
0xde: {  	v21 =	vand.u32 $0xFFFF, v12;
	v17 =	vld.idx.msk [tilespmem:v9+s17+$0x0], $0xffff  }
0xdf: {  	v1 =	vshrl.u32 v1, $0x10;
	v20 =	vld.idx.msk [tilespmem:v11+s17+$0x0], $0xffff  }
0xe0: {  	v2 =	vshrl.u32 v2, $0x10;
	v22 =	vld.idx.msk [tilespmem:v13+s17+$0x0], $0xffff  }
0xe1: {  	v3 =	vshrl.u32 v3, $0x10;
	v23 =	vld.idx.msk [tilespmem:v14+s17+$0x0], $0xffff  }
0xe2: {  	v4 =	vshrl.u32 v4, $0x10;
	v63 =	vld.idx.msk [tilespmem:v19+s17+$0x0], $0xffff  }
0xe3: {  	v10 =	vshrl.u32 v10, $0x10;
	v25 =	vld.idx.msk [tilespmem:v21+s17+$0x0], $0xffff  }
0xe4: {  	v5 =	vshrl.u32 v5, $0x10;
	[tilespmem:v1+s11+$0x0] =	vst.idx.add.f32.msk $0xffff, v15  }
0xe5: {  	v6 =	vshrl.u32 v6, $0x10;
	[tilespmem:v2+s11+$0x0] =	vst.idx.add.f32.msk $0xffff, v16  }
0xe6: {  	v12 =	vshrl.u32 v12, $0x10;
	[tilespmem:v3+s11+$0x0] =	vst.idx.add.f32.msk $0xffff, v17  }
0xe7: {  	v18 =	vadd.s32 $0x2710, v7;
	[tilespmem:v4+s11+$0x0] =	vst.idx.add.f32.msk $0xffff, v20  }
0xe8: {  	v31 =	vadd.s32 $0x2710, v8;
	[tilespmem:v10+s11+$0x0] =	vst.idx.add.f32.msk $0xffff, v63  }
0xe9: {  	v32 =	vadd.s32 $0x2710, v9;
	[tilespmem:v5+s11+$0x0] =	vst.idx.add.f32.msk $0xffff, v22  }
0xea: {  	v33 =	vadd.s32 $0x2710, v11;
	[tilespmem:v6+s11+$0x0] =	vst.idx.add.f32.msk $0xffff, v23  }
0xeb: {  	v34 =	vadd.s32 $0x2710, v13;
	[tilespmem:v12+s11+$0x0] =	vst.idx.add.f32.msk $0xffff, v25  }
0xec: {  	v35 =	vadd.s32 $0x2710, v14;
	v15 =	vld.idx.msk [tilespmem:v18+s17+$0x0], $0xffff  }
0xed: {  	v24 =	vadd.s32 $0x2710, v1;
	v36 =	vld.idx.msk [tilespmem:v31+s17+$0x0], $0xffff  }
0xee: {  	v28 =	vadd.s32 $0x2710, v19;
	v20 =	vld.idx.msk [tilespmem:v32+s17+$0x0], $0xffff  }
0xef: {  	v26 =	vadd.s32 $0x4E20, v7;
	v22 =	vld.idx.msk [tilespmem:v33+s17+$0x0], $0xffff  }
0xf0: {  	v39 =	vadd.s32 $0x2710, v2;
	v23 =	vld.idx.msk [tilespmem:v34+s17+$0x0], $0xffff  }
0xf1: {  	v40 =	vadd.s32 $0x2710, v3;
	v16 =	vld.idx.msk [tilespmem:v35+s17+$0x0], $0xffff  }
0xf2: {  	v27 =	vadd.s32 $0x2710, v4;
	[tilespmem:v24+s11+$0x0] =	vst.idx.add.f32.msk $0xffff, v15  }
0xf3: {  	v41 =	vadd.s32 $0x2710, v6;
	v15 =	vld.idx.msk [tilespmem:v28+s17+$0x0], $0xffff  }
0xf4: {  	v30 =	vadd.s32 $0x4E20, v1;
	v29 =	vld.idx.msk [tilespmem:v26+s17+$0x0], $0xffff  }
0xf5: {  	v7 =	vadd.s32 $0x7530, v7;
	[tilespmem:v39+s11+$0x0] =	vst.idx.add.f32.msk $0xffff, v36  }
0xf6: {  	v44 =	vadd.s32 $0x4E20, v8;
	[tilespmem:v40+s11+$0x0] =	vst.idx.add.f32.msk $0xffff, v20  }
0xf7: {  	v45 =	vadd.s32 $0x4E20, v9;
	[tilespmem:v27+s11+$0x0] =	vst.idx.add.f32.msk $0xffff, v22  }
0xf8: {  	v38 =	vadd.s32 $0x2710, v10;
	[tilespmem:v41+s11+$0x0] =	vst.idx.add.f32.msk $0xffff, v16  }
0xf9: {  	v43 =	vadd.s32 $0x4E20, v19;
	[tilespmem:v30+s11+$0x0] =	vst.idx.add.f32.msk $0xffff, v29  }
0xfa: {  	v1 =	vadd.s32 $0x7530, v1;
	v7 =	vld.idx.msk [tilespmem:v7+s17+$0x0], $0xffff  }
0xfb: {  	v37 =	vadd.s32 $0x2710, v21;
	v49 =	vld.idx.msk [tilespmem:v44+s17+$0x0], $0xffff  }
0xfc: {  	v51 =	vadd.s32 $0x4E20, v2;
	v22 =	vld.idx.msk [tilespmem:v45+s17+$0x0], $0xffff  }
0xfd: {  	v52 =	vadd.s32 $0x4E20, v3;
	[tilespmem:v38+s11+$0x0] =	vst.idx.add.f32.msk $0xffff, v15  }
0xfe: {  	v8 =	vadd.s32 $0x7530, v8;
	v47 =	vld.idx.msk [tilespmem:v43+s17+$0x0], $0xffff  }
0xff: {  	[tilespmem:v1+s11+$0x0] =	vst.idx.add.f32.msk $0xffff, v7;
	v1 =	vadd.s32 $0x2710, v5  }
0x100: {  	v42 =	vadd.s32 $0x2710, v12;
	v7 =	vld.idx.msk [tilespmem:v37+s17+$0x0], $0xffff  }
0x101: {  	v50 =	vadd.s32 $0x4E20, v10;
	[tilespmem:v51+s11+$0x0] =	vst.idx.add.f32.msk $0xffff, v49  }
0x102: {  	v57 =	vadd.s32 $0x7530, v19;
	[tilespmem:v52+s11+$0x0] =	vst.idx.add.f32.msk $0xffff, v22  }
0x103: {  	v2 =	vadd.s32 $0x7530, v2;
	v8 =	vld.idx.msk [tilespmem:v8+s17+$0x0], $0xffff  }
0x104: {  	[tilespmem:v1+s11+$0x0] =	vst.idx.add.f32.msk $0xffff, v23;
	v1 =	vadd.s32 $0x4E20, v11  }
0x105: {  	[tilespmem:v42+s11+$0x0] =	vst.idx.add.f32.msk $0xffff, v7;
	v7 =	vadd.s32 $0x4E20, v14  }
0x106: {  	v46 =	vadd.s32 $0x4E20, v13;
	[tilespmem:v50+s11+$0x0] =	vst.idx.add.f32.msk $0xffff, v47  }
0x107: {  	v48 =	vadd.s32 $0x4E20, v21;
	v60 =	vld.idx.msk [tilespmem:v57+s17+$0x0], $0xffff  }
0x108: {  	v10 =	vadd.s32 $0x7530, v10;
	[tilespmem:v2+s11+$0x0] =	vst.idx.add.f32.msk $0xffff, v8  }
0x109: {  	v53 =	vadd.s32 $0x4E20, v4;
	v1 =	vld.idx.msk [tilespmem:v1+s17+$0x0], $0xffff  }
0x10a: {  	v55 =	vadd.s32 $0x4E20, v6;
	v7 =	vld.idx.msk [tilespmem:v7+s17+$0x0], $0xffff  }
0x10b: {  	v54 =	vadd.s32 $0x4E20, v5;
	v16 =	vld.idx.msk [tilespmem:v46+s17+$0x0], $0xffff  }
0x10c: {  	v56 =	vadd.s32 $0x4E20, v12;
	v17 =	vld.idx.msk [tilespmem:v48+s17+$0x0], $0xffff  }
0x10d: {  	v58 =	vadd.s32 $0x7530, v11;
	[tilespmem:v10+s11+$0x0] =	vst.idx.add.f32.msk $0xffff, v60  }
0x10e: {  	[tilespmem:v53+s11+$0x0] =	vst.idx.add.f32.msk $0xffff, v1;
	v1 =	vadd.s32 $0x7530, v9  }
0x10f: {  	[tilespmem:v55+s11+$0x0] =	vst.idx.add.f32.msk $0xffff, v7;
	v7 =	vadd.s32 $0x7530, v13  }
0x110: {  	v61 =	vadd.s32 $0x7530, v21;
	[tilespmem:v54+s11+$0x0] =	vst.idx.add.f32.msk $0xffff, v16  }
0x111: {  	v59 =	vadd.s32 $0x7530, v14;
	[tilespmem:v56+s11+$0x0] =	vst.idx.add.f32.msk $0xffff, v17  }
0x112: {  	v63 =	vadd.s32 $0x7530, v4;
	v9 =	vld.idx.msk [tilespmem:v58+s17+$0x0], $0xffff  }
0x113: {  	v62 =	vadd.s32 $0x7530, v3;
	v1 =	vld.idx.msk [tilespmem:v1+s17+$0x0], $0xffff  }
0x114: {  	v5 =	vadd.s32 $0x7530, v5;
	v7 =	vld.idx.msk [tilespmem:v7+s17+$0x0], $0xffff  }
0x115: {  	v3 =	vld.idx.msk [tilespmem:v61+s17+$0x0], $0xffff  }
0x116: {  	v4 =	vld.idx.msk [tilespmem:v59+s17+$0x0], $0xffff  }
0x117: {  	[tilespmem:v63+s11+$0x0] =	vst.idx.add.f32.msk $0xffff, v9  }
0x118: {  	[tilespmem:v62+s11+$0x0] =	vst.idx.add.f32.msk $0xffff, v1  }
0x119: {  	s18 =	simm.s32 $0x0;
	s19 =	simm.s32 $0x18840;
	v2 =	vadd.s32 $0x7530, v6;
	v1 =	vadd.s32 $0x7530, v12;
	[tilespmem:v5+s11+$0x0] =	vst.idx.add.f32.msk $0xffff, v7  }
.LBB2_9:
0x11a: {  	v5 =	vld [tilespmem:s19+$0x30];
	s18 =	sadd.s32 $0x8, s18  }
0x11b: {  	v6 =	vld [tilespmem:s19+$0xFFFFFFD0];
	p0 =	slt.u32 s18, $0x4D8  }
0x11c: {  	v7 =	vld [tilespmem:s19+$0xFFFFFFE0]  }
0x11d: {  	v8 =	vld [tilespmem:s19+$0xFFFFFFF0]  }
0x11e: {  	v9 =	vld [tilespmem:s19+$0x0]  }
0x11f: {  	v10 =	vld [tilespmem:s19+$0x10];
	v11 =	vand.u32 $0xFFFF, v5  }
0x120: {  	v12 =	vand.u32 $0xFFFF, v6;
	v6 =	vshrl.u32 v6, $0x10;
	v13 =	vld [tilespmem:s19+$0x20]  }
0x121: {  	v14 =	vld [tilespmem:s19+$0xFFFFFFC0];
	v15 =	vadd.s32 $0x2710, v12;
	v16 =	vand.u32 $0xFFFF, v7;
	v7 =	vshrl.u32 v7, $0x10  }
0x122: {  	v17 =	vadd.s32 $0x2710, v16;
	v18 =	vand.u32 $0xFFFF, v8;
	v8 =	vshrl.u32 v8, $0x10;
	[tilespmem:v2+s11+$0x0] =	vst.idx.add.f32.msk $0xffff, v4  }
0x123: {  	v4 =	vadd.s32 $0x2710, v18;
	v2 =	vand.u32 $0xFFFF, v9;
	v9 =	vshrl.u32 v9, $0x10;
	[tilespmem:v1+s11+$0x0] =	vst.idx.add.f32.msk $0xffff, v3  }
0x124: {  	v3 =	vadd.s32 $0x2710, v2;
	v1 =	vand.u32 $0xFFFF, v10;
	v10 =	vshrl.u32 v10, $0x10;
	v19 =	vld.idx.msk [tilespmem:v11+s17+$0x0], $0xffff  }
0x125: {  	v5 =	vshrl.u32 v5, $0x10;
	v20 =	vld.idx.msk [tilespmem:v12+s17+$0x0], $0xffff;
	v21 =	vand.u32 $0xFFFF, v13;
	v13 =	vshrl.u32 v13, $0x10  }
0x126: {  	v24 =	vadd.s32 $0x2710, v11;
	v22 =	vand.u32 $0xFFFF, v14;
	v14 =	vshrl.u32 v14, $0x10;
	v23 =	vld.idx.msk [tilespmem:v16+s17+$0x0], $0xffff  }
0x127: {  	v27 =	vadd.s32 $0x2710, v1;
	v28 =	vadd.s32 $0x2710, v21;
	v25 =	vadd.s32 $0x2710, v22;
	v26 =	vld.idx.msk [tilespmem:v18+s17+$0x0], $0xffff  }
0x128: {  	v30 =	vadd.s32 $0x2710, v6;
	v31 =	vadd.s32 $0x2710, v7;
	v29 =	vadd.s32 $0x2710, v14;
	v32 =	vld.idx.msk [tilespmem:v2+s17+$0x0], $0xffff  }
0x129: {  	v33 =	vadd.s32 $0x2710, v8;
	v34 =	vadd.s32 $0x2710, v9;
	v36 =	vadd.s32 $0x2710, v10;
	v35 =	vld.idx.msk [tilespmem:v1+s17+$0x0], $0xffff  }
0x12a: {  	v38 =	vadd.s32 $0x4E20, v12;
	v39 =	vadd.s32 $0x2710, v13;
	v37 =	vadd.s32 $0x4E20, v22;
	[tilespmem:v5+s11+$0x0] =	vst.idx.add.f32.msk $0xffff, v19  }
0x12b: {  	v40 =	vadd.s32 $0x4E20, v18;
	v41 =	vadd.s32 $0x4E20, v2;
	v19 =	vadd.s32 $0x4E20, v16;
	v24 =	vld.idx.msk [tilespmem:v24+s17+$0x0], $0xffff  }
0x12c: {  	v45 =	vadd.s32 $0x2710, v5;
	v43 =	vadd.s32 $0x4E20, v1;
	v44 =	vadd.s32 $0x4E20, v21;
	v42 =	vld.idx.msk [tilespmem:v22+s17+$0x0], $0xffff  }
0x12d: {  	v49 =	vadd.s32 $0x4E20, v11;
	v47 =	vadd.s32 $0x4E20, v6;
	v46 =	vadd.s32 $0x4E20, v14;
	v48 =	vld.idx.msk [tilespmem:v21+s17+$0x0], $0xffff  }
0x12e: {  	v50 =	vadd.s32 $0x4E20, v8;
	v51 =	vadd.s32 $0x4E20, v9;
	[tilespmem:v6+s11+$0x0] =	vst.idx.add.f32.msk $0xffff, v20;
	v20 =	vadd.s32 $0x4E20, v7  }
0x12f: {  	v52 =	vadd.s32 $0x4E20, v13;
	v22 =	vadd.s32 $0x7530, v22;
	[tilespmem:v7+s11+$0x0] =	vst.idx.add.f32.msk $0xffff, v23;
	v23 =	vadd.s32 $0x4E20, v10  }
0x130: {  	v12 =	vadd.s32 $0x7530, v12;
	v18 =	vadd.s32 $0x7530, v18;
	v16 =	vadd.s32 $0x7530, v16;
	[tilespmem:v8+s11+$0x0] =	vst.idx.add.f32.msk $0xffff, v26  }
0x131: {  	v53 =	vadd.s32 $0x7530, v1;
	v21 =	vadd.s32 $0x7530, v21;
	v26 =	vadd.s32 $0x7530, v2;
	[tilespmem:v45+s11+$0x0] =	vst.idx.add.f32.msk $0xffff, v24  }
0x132: {  	v6 =	vadd.s32 $0x7530, v6;
	v7 =	vadd.s32 $0x7530, v7;
	v24 =	vadd.s32 $0x7530, v14;
	v45 =	vld.idx.msk [tilespmem:v49+s17+$0x0], $0xffff  }
0x133: {  	v8 =	vadd.s32 $0x7530, v8;
	[tilespmem:v14+s11+$0x0] =	vst.idx.add.f32.msk $0xffff, v42;
	v14 =	vadd.s32 $0x7530, v9;
	v42 =	vadd.s32 $0x4E20, v5  }
0x134: {  	v1 =	vadd.s32 $0x7530, v13;
	v2 =	vadd.s32 $0x7530, v10;
	[tilespmem:v9+s11+$0x0] =	vst.idx.add.f32.msk $0xffff, v32;
	v9 =	vadd.s32 $0x7530, v11  }
0x135: {  	[tilespmem:v10+s11+$0x0] =	vst.idx.add.f32.msk $0xffff, v35  }
0x136: {  	[tilespmem:v13+s11+$0x0] =	vst.idx.add.f32.msk $0xffff, v48  }
0x137: {  	v10 =	vld.idx.msk [tilespmem:v25+s17+$0x0], $0xffff  }
0x138: {  	[tilespmem:v42+s11+$0x0] =	vst.idx.add.f32.msk $0xffff, v45  }
0x139: {  	v9 =	vld.idx.msk [tilespmem:v9+s17+$0x0], $0xffff  }
0x13a: {  	v5 =	vadd.s32 $0x7530, v5;
	v11 =	vld.idx.msk [tilespmem:v15+s17+$0x0], $0xffff  }
0x13b: {  	v13 =	vld.idx.msk [tilespmem:v17+s17+$0x0], $0xffff  }
0x13c: {  	v4 =	vld.idx.msk [tilespmem:v4+s17+$0x0], $0xffff  }
0x13d: {  	v3 =	vld.idx.msk [tilespmem:v3+s17+$0x0], $0xffff  }
0x13e: {  	v15 =	vld.idx.msk [tilespmem:v27+s17+$0x0], $0xffff  }
0x13f: {  	[tilespmem:v5+s11+$0x0] =	vst.idx.add.f32.msk $0xffff, v9  }
0x140: {  	v5 =	vld.idx.msk [tilespmem:v28+s17+$0x0], $0xffff  }
0x141: {  	[tilespmem:v29+s11+$0x0] =	vst.idx.add.f32.msk $0xffff, v10  }
0x142: {  	[tilespmem:v30+s11+$0x0] =	vst.idx.add.f32.msk $0xffff, v11  }
0x143: {  	[tilespmem:v31+s11+$0x0] =	vst.idx.add.f32.msk $0xffff, v13  }
0x144: {  	[tilespmem:v33+s11+$0x0] =	vst.idx.add.f32.msk $0xffff, v4  }
0x145: {  	[tilespmem:v34+s11+$0x0] =	vst.idx.add.f32.msk $0xffff, v3  }
0x146: {  	[tilespmem:v36+s11+$0x0] =	vst.idx.add.f32.msk $0xffff, v15  }
0x147: {  	[tilespmem:v39+s11+$0x0] =	vst.idx.add.f32.msk $0xffff, v5  }
0x148: {  	v3 =	vld.idx.msk [tilespmem:v37+s17+$0x0], $0xffff  }
0x149: {  	v4 =	vld.idx.msk [tilespmem:v38+s17+$0x0], $0xffff  }
0x14a: {  	v5 =	vld.idx.msk [tilespmem:v19+s17+$0x0], $0xffff  }
0x14b: {  	v9 =	vld.idx.msk [tilespmem:v40+s17+$0x0], $0xffff  }
0x14c: {  	v10 =	vld.idx.msk [tilespmem:v41+s17+$0x0], $0xffff  }
0x14d: {  	v11 =	vld.idx.msk [tilespmem:v43+s17+$0x0], $0xffff  }
0x14e: {  	v13 =	vld.idx.msk [tilespmem:v44+s17+$0x0], $0xffff  }
0x14f: {  	[tilespmem:v46+s11+$0x0] =	vst.idx.add.f32.msk $0xffff, v3  }
0x150: {  	[tilespmem:v47+s11+$0x0] =	vst.idx.add.f32.msk $0xffff, v4  }
0x151: {  	[tilespmem:v20+s11+$0x0] =	vst.idx.add.f32.msk $0xffff, v5  }
0x152: {  	[tilespmem:v50+s11+$0x0] =	vst.idx.add.f32.msk $0xffff, v9  }
0x153: {  	[tilespmem:v51+s11+$0x0] =	vst.idx.add.f32.msk $0xffff, v10  }
0x154: {  	[tilespmem:v23+s11+$0x0] =	vst.idx.add.f32.msk $0xffff, v11  }
0x155: {  	[tilespmem:v52+s11+$0x0] =	vst.idx.add.f32.msk $0xffff, v13  }
0x156: {  	v5 =	vld.idx.msk [tilespmem:v22+s17+$0x0], $0xffff  }
0x157: {  	v9 =	vld.idx.msk [tilespmem:v12+s17+$0x0], $0xffff  }
0x158: {  	v10 =	vld.idx.msk [tilespmem:v16+s17+$0x0], $0xffff  }
0x159: {  	v11 =	vld.idx.msk [tilespmem:v18+s17+$0x0], $0xffff  }
0x15a: {  	v12 =	vld.idx.msk [tilespmem:v26+s17+$0x0], $0xffff  }
0x15b: {  	v4 =	vld.idx.msk [tilespmem:v53+s17+$0x0], $0xffff  }
0x15c: {  	v3 =	vld.idx.msk [tilespmem:v21+s17+$0x0], $0xffff  }
.Ltmp3:
0x15d: {  	[tilespmem:v24+s11+$0x0] =	vst.idx.add.f32.msk $0xffff, v5;
	(pc) =	sbr.rel @p0 .LBB2_9-.Ltmp3, $4  }
0x15e: {  	[tilespmem:v6+s11+$0x0] =	vst.idx.add.f32.msk $0xffff, v9  }
0x15f: {  	[tilespmem:v7+s11+$0x0] =	vst.idx.add.f32.msk $0xffff, v10  }
0x160: {  	[tilespmem:v8+s11+$0x0] =	vst.idx.add.f32.msk $0xffff, v11  }
0x161: {  	s19 =	sadd.s32 $0x80, s19;
	[tilespmem:v14+s11+$0x0] =	vst.idx.add.f32.msk $0xffff, v12  }
0x162: {  	_ =	sdelay $0x3  }
0x163: {  	[tilespmem:v2+s11+$0x0] =	vst.idx.add.f32.msk $0xffff, v4  }
0x164: {  	[tilespmem:v1+s11+$0x0] =	vst.idx.add.f32.msk $0xffff, v3  }
.LBB2_11:
0x165: {  	s18 =	sshra.s32 s17, $0x2  }
0x166: {  	v1 =	vld [tilespmem:s18+$0x1D580];
	_ =	sdelay $0x4  }
0x167: {  	v2 =	vand.u32 $0xFFFF, v1;
	_ =	sdelay $0x4  }
0x168: {  	v1 =	vshrl.u32 v1, $0x10;
	v3 =	vld.idx.msk [tilespmem:v2+s2+$0x0], $0xffff  }
0x169: {  	v4 =	vadd.s32 $0x2710, v2;
	_ =	sdelay $0x3  }
0x16a: {  	[tilespmem:v1+s11+$0x0] =	vst.idx.add.f32.msk $0xffff, v3  }
0x16b: {  	v62 =	vadd.s32 $0x2710, v1;
	v3 =	vld.idx.msk [tilespmem:v4+s2+$0x0], $0xffff  }
0x16c: {  	v5 =	vadd.s32 $0x4E20, v2;
	_ =	sdelay $0x3  }
0x16d: {  	[tilespmem:v62+s11+$0x0] =	vst.idx.add.f32.msk $0xffff, v3  }
0x16e: {  	v63 =	vadd.s32 $0x4E20, v1;
	v3 =	vld.idx.msk [tilespmem:v5+s2+$0x0], $0xffff  }
0x16f: {  	v2 =	vadd.s32 $0x7530, v2;
	_ =	sdelay $0x3  }
0x170: {  	[tilespmem:v63+s11+$0x0] =	vst.idx.add.f32.msk $0xffff, v3  }
0x171: {  	p0 =	sne.s32 s17, $0x40;
	v1 =	vadd.s32 $0x7530, v1;
	v2 =	vld.idx.msk [tilespmem:v2+s2+$0x0], $0xffff  }
.Ltmp4:
0x172: {  	_ = 	snop;
	(pc) =	sbr.rel @p0 .LBB2_11-.Ltmp4, $2  }
0x173: {  	_ =	sdelay $0x2  }
0x174: {  	s17 =	sadd.s32 $0x40, s17;
	[tilespmem:v1+s11+$0x0] =	vst.idx.add.f32.msk $0xffff, v2  }
0x175: {  	s16 =	sadd.s32 $0x1, s16  }
0x176: {  	p0 =	sne.s32 s16, $0x8  }
.Ltmp5:
0x177: {  	_ = 	snop;
	(pc) =	sbr.rel @p0 .LBB2_4-.Ltmp5, $1  }
0x178: {  	_ =	sdelay $0x3  }
0x179: {  	s14 =	sadd.s32 $0x1, s14  }
0x17a: {  	p0 =	sne.s32 s14, s6  }
.Ltmp6:
0x17b: {  	_ = 	snop;
	(pc) =	sbr.rel @p0 .LBB2_1-.Ltmp6, $4  }
0x17c: {  	[hbm4b:s5+s2] =	stream.linear.scatter [tilespmem:s11], [sflag:$0x4], $0x9C40, $0x38;
	[tilespmem:$0x1D600] =	vst v63  }
0x17d: {  	_ =	swait.ge [sflag:s13], $0x9C40  }
0x17e: {  	[sflag:s13] =	ssyncset.done $0x0  }
0x17f: {  	[sflag:s13] =	ssyncadd.s32 $0xFFFF63C0  }
0x180: {  	_ =	sfence.sel $0x180000  }
0x181: {  	[bflag:$0x0] =	sbarrier.arrive $0xFFFF  }
0x182: {  	p0 =	sne.s32 s0, $0x0;
	_ =	strace $0x9000004A  }
0x183: {  	s0 =	sadd.s32 @!p0 $0x100000, s1;
	[bflag:$0x2] =	sbarrier.arrive $0xFFFF  }
0x184: {  	[sflag:s0] =	ssyncadd.tile.s32 @!p0 $0x1;
	_ =	shalt  }
.Lfunc_end2:
_tile_overlayer_lowered:
.L_overlay_start_2:
0x185: {  	(tag) =	ssettag $0x2  }
0x186: {  	s0 =	rddreg [dreg:$0x0];
	s2 =	stileid.u32  }
0x187: {  	s1 =	rddreg [dreg:$0x1];
	p0 =	sne.s32 s2, $0x0  }
0x188: {  	s3 =	rddreg [dreg:$0x2];
	[bflag:$0x3] =	sbarrier.arrive $0xFFFF;
	s2 =	simm.s32 @!p0 $0x1C04  }
0x189: {  	[timem:s3], [sflag:s2] =	dma.local @!p0 [hbm:s0], s1  }
0x18a: {  	s0 =	simm.s32 @!p0 $0x4  }
0x18b: {  	_ =	swait.ge @!p0 [sflag:s0], s1  }
0x18c: {  	s1 =	ssub.s32 @!p0 $0x0, s1;
	[sflag:s0] =	ssyncset.done @!p0 $0x0  }
0x18d: {  	[sflag:s0] =	ssyncadd.s32 @!p0 s1  }
0x18e: {  	[bflag:$0x3] =	sbarrier.arrive $0xFFFF  }
0x18f: {  	_ =	shalt  }

// kernel: kernel.14.cloned.1.call-start
scs
__scs_entry_jumppad:
0x0: {  	(pc) =	sbr.rel $0x88, $3  }
0x1: {  	(tag) =	ssettag $0x0;
	lr =	simm.s32 $0x1  }
0x2: {  	[smem:$0x3F94] =	sst lr;
	_ =	strace $0xD0000000  }
0x3: {  	_ = 	snop  }
0x4: {  	_ = 	snop  }
0x5: {  	_ = 	snop  }
0x6: {  	_ = 	snop  }
0x7: {  	_ = 	snop  }
__scs_overlays_trampoline_lowered:
0x8: {  	[smem:$0x3FA3] =	sst s0  }
0x9: {  	[smem:$0x3FA4] =	sst s1  }
0xa: {  	[smem:$0x3FA5] =	sst s2  }
0xb: {  	[smem:$0x3FA6] =	sst s3  }
0xc: {  	[smem:$0x3FA7] =	sst s4  }
0xd: {  	[smem:$0x3FA8] =	sst s5  }
0xe: {  	[smem:$0x3FA9] =	sst s6  }
0xf: {  	[smem:$0x3FAA] =	sst s7  }
0x10: {  	[smem:$0x3FAB] =	sst s8  }
0x11: {  	[smem:$0x3FAC] =	sst s9;
	s0 =	simm.s32 @!p0 $0x0  }
0x12: {  	s1 =	sld [smem:$0x3F92];
	s0 =	simm.s32 @p0 $0x1  }
0x13: {  	[smem:$0x3FAD] =	sst s0;
	s0 =	simm.s32 @!p1 $0x0  }
0x14: {  	s2 =	sld [smem:$0x3F91];
	s0 =	simm.s32 @p1 $0x1  }
0x15: {  	[smem:$0x3FAE] =	sst s0;
	s0 =	simm.s32 @!p2 $0x0  }
0x16: {  	s3 =	sld [smem:$0x3FDB];
	s0 =	simm.s32 @p2 $0x1  }
0x17: {  	s4 =	simm.s32 $0x1BF5;
	[smem:$0x3FB0] =	sst s0  }
0x18: {  	s0 =	sld [smem:$0x3F93];
	_ =	swait.ge [sflag:s4], $0x0  }
0x19: {  	s7 =	sld [smem:$0x3F94]  }
0x1a: {  	s8 =	sadd.s32 $0xFFFFE003, lr  }
0x1b: {  	s9 =	sadd.s32 $0xFFFFFEF7, lr;
	s5 =	simm.s32 $0xFFFFFFFF;
	p2 =	slt.u32 s8, $0xFFFFF086  }
0x1c: {  	p1 =	slt.u32 s9, $0xF7A;
	s5 =	simm.s32 @!p2 $0x0  }
0x1d: {  	s5 =	simm.s32 @p1 $0x1;
	p0 =	seq.s32 s7, s2  }
0x1e: {  	s7 =	smul.u32 @!p0 $0xF7A, s2;
	p2 =	seq.s32 @!p0 s5, $0x0  }
0x1f: {  	s9 =	smul.u32 $0xF7A, s1;
	s8 =	simm.s32 @!p0 $0x1BF5;
	p2 =	por !p2, p0  }
0x20: {  	[sflag:s8] =	ssyncset.s32 @!p0 $0xFFFFF086;
	s6 =	sadd.s32 @!p0 s3, s7;
	s7 =	simm.s32 @!p0 $0x108  }
0x21: {  	s3 =	sadd.s32 s3, s9;
	s6 =	sadd.s32 @!p0 $0x88, s6;
	s7 =	simm.s32 @p2 $0x1082  }
0x22: {  	[simem:s7], [sflag:s8] =	dma.local @!p0 [hbm:s6], $0xF7A  }
0x23: {  	s9 =	sor.u32 $0xD0000000, s2;
	s6 =	simm.s32 $0x108;
	_ =	swait.ge @!p0 [sflag:s8], $0x0  }
0x24: {  	s3 =	sadd.s32 $0x88, s3;
	s6 =	simm.s32 @!p1 $0x1082;
	[sflag:s4] =	ssyncset.s32 $0xFFFFF086  }
0x25: {  	[simem:s6], [sflag:s4] =	dma.local [hbm:s3], $0xF7A  }
0x26: {  	[smem:$0x3F94] =	sst s1;
	(tag) =	ssettag s2;
	_ =	strace s9  }
0x27: {  	s1 =	sld [smem:$0x3FA4]  }
0x28: {  	s2 =	sld [smem:$0x3FA5]  }
0x29: {  	s4 =	sld [smem:$0x3FA7]  }
0x2a: {  	p0 =	seq.s32 s5, $0x0;
	s5 =	sld [smem:$0x3FA8]  }
0x2b: {  	s6 =	sld [smem:$0x3FA9]  }
0x2c: {  	s7 =	sld [smem:$0x3FAA]  }
0x2d: {  	s3 =	simm.s32 $0x108;
	s8 =	sld [smem:$0x3FAB]  }
0x2e: {  	s3 =	simm.s32 @!p0 $0x1082;
	s9 =	sld [smem:$0x3FAC]  }
0x2f: {  	lr =	sadd.s32 s0, s3;
	s0 =	sld [smem:$0x3FA3]  }
0x30: {  	s3 =	sld [smem:$0x3FA6]  }
0x31: {  	[smem:$0x3FAF] =	sst s10  }
0x32: {  	s10 =	sld [smem:$0x3FAD];
	_ =	sdelay $0x3  }
0x33: {  	p0 =	seq.s32 s10, $0x1;
	s10 =	sld [smem:$0x3FAF];
	_ =	sdelay $0x3  }
0x34: {  	[smem:$0x3FAF] =	sst s10  }
0x35: {  	s10 =	sld [smem:$0x3FAE];
	_ =	sdelay $0x3  }
0x36: {  	p1 =	seq.s32 s10, $0x1;
	s10 =	sld [smem:$0x3FAF];
	_ =	sdelay $0x3  }
0x37: {  	[smem:$0x3FAF] =	sst s10  }
0x38: {  	s10 =	sld [smem:$0x3FB0]  }
0x39: {  	_ = 	snop;
	(pc) =	sbr.ind lr, $3  }
0x3a: {  	_ = 	snop  }
0x3b: {  	_ = 	snop  }
0x3c: {  	p2 =	seq.s32 s10, $0x1;
	s10 =	sld [smem:$0x3FAF]  }
0x3d: {  	_ =	shalt  }
0x3e: {  	_ =	shalt  }
0x3f: {  	_ =	shalt  }
0x40: {  	_ =	shalt  }
0x41: {  	_ =	shalt  }
0x42: {  	_ =	shalt  }
0x43: {  	_ =	shalt  }
0x44: {  	_ =	shalt  }
0x45: {  	_ =	shalt  }
0x46: {  	_ =	shalt  }
0x47: {  	_ =	shalt  }
0x48: {  	_ =	shalt  }
0x49: {  	_ =	shalt  }
0x4a: {  	_ =	shalt  }
0x4b: {  	_ =	shalt  }
0x4c: {  	_ =	shalt  }
0x4d: {  	_ =	shalt  }
0x4e: {  	_ =	shalt  }
0x4f: {  	_ =	shalt  }
0x50: {  	_ =	shalt  }
0x51: {  	_ =	shalt  }
0x52: {  	_ =	shalt  }
0x53: {  	_ =	shalt  }
0x54: {  	_ =	shalt  }
0x55: {  	_ =	shalt  }
0x56: {  	_ =	shalt  }
0x57: {  	_ =	shalt  }
0x58: {  	_ =	shalt  }
0x59: {  	_ =	shalt  }
0x5a: {  	_ =	shalt  }
0x5b: {  	_ =	shalt  }
0x5c: {  	_ =	shalt  }
0x5d: {  	_ =	shalt  }
0x5e: {  	_ =	shalt  }
0x5f: {  	_ =	shalt  }
0x60: {  	_ =	shalt  }
0x61: {  	_ =	shalt  }
0x62: {  	_ =	shalt  }
0x63: {  	_ =	shalt  }
0x64: {  	_ =	shalt  }
0x65: {  	_ =	shalt  }
0x66: {  	_ =	shalt  }
0x67: {  	_ =	shalt  }
0x68: {  	_ =	shalt  }
0x69: {  	_ =	shalt  }
0x6a: {  	_ =	shalt  }
0x6b: {  	_ =	shalt  }
0x6c: {  	_ =	shalt  }
0x6d: {  	_ =	shalt  }
0x6e: {  	_ =	shalt  }
0x6f: {  	_ =	shalt  }
0x70: {  	_ =	shalt  }
0x71: {  	_ =	shalt  }
0x72: {  	_ =	shalt  }
0x73: {  	_ =	shalt  }
0x74: {  	_ =	shalt  }
0x75: {  	_ =	shalt  }
0x76: {  	_ =	shalt  }
0x77: {  	_ =	shalt  }
0x78: {  	_ =	shalt  }
0x79: {  	_ =	shalt  }
0x7a: {  	_ =	shalt  }
0x7b: {  	_ =	shalt  }
0x7c: {  	_ =	shalt  }
0x7d: {  	_ =	shalt  }
0x7e: {  	_ =	shalt  }
0x7f: {  	_ =	shalt  }
0x80: {  	_ =	shalt  }
0x81: {  	_ =	shalt  }
0x82: {  	_ =	shalt  }
0x83: {  	_ =	shalt  }
0x84: {  	_ =	shalt  }
0x85: {  	_ =	shalt  }
0x86: {  	_ =	shalt  }
0x87: {  	_ =	shalt  }
.Lfunc_end0:
.L_simem_size_0:
called_computation.2_lowered:
.L_overlay_start_0:
0x88: {  	s2 =	sld [smem:$0x3FD9]  }
0x89: {  	s3 =	sld [smem:$0x3FFE];
	_ =	sdelay $0x1  }
0x8a: {  	s1 =	srdreg.scid  }
0x8b: {  	s0 =	sand.u32 $0x1, s1  }
0x8c: {  	s16 =	sshll.u32 s0, $0xA;
	s2 =	sadd.s32 s3, s2  }
0x8d: {  	s2 =	sadd.s32 s2, s16  }
0x8e: {  	[smem:$0x3FBB] =	sst s2  }
0x8f: {  	_ = 	snop  }
0x90: {  	(tm) =	ssettm $0x1  }
0x91: {  	s17 =	sld [smem:$0x3FFB];
	_ =	sdelay $0x3  }
0x92: {  	_ =	strace s17  }
0x93: {  	s2 =	sld [smem:$0x3FFC];
	_ =	sdelay $0x3  }
0x94: {  	_ =	strace s2  }
0x95: {  	s2 =	sld [smem:$0x3FFD];
	_ =	sdelay $0x3  }
0x96: {  	_ =	strace s2  }
0x97: {  	_ =	strace $0x8FFFFFFF  }
0x98: {  	s18 =	sld [smem:$0x3FDB];
	_ =	sdelay $0x1  }
0x99: {  	s19 =	simm.s32 $_scs_section_size  }
0x9a: {  	s4 =	simm.s32 $_size__tile_overlayer_lowered;
	s5 =	simm.s32 $_tile_overlayer_lowered  }
0x9b: {  	s22 =	simm.s32 $0x1BFF;
	s21 =	sshll.u32 s5, $0x1;
	s2 =	sadd.s32 s19, s18  }
0x9c: {  	s6 =	simm.s32 $0x0;
	s20 =	sshll.u32 s4, $0x1;
	s4 =	sadd.s32 s21, s2  }
0x9d: {  	[timem:s6], [sflag:s22] =	dma.local [hbm:s4], s20  }
0x9e: {  	_ =	swait.ge [sflag:s22], s20  }
0x9f: {  	s3 =	ssub.s32 $0x0, s20;
	[sflag:s22] =	ssyncset.done $0x0  }
0xa0: {  	[sflag:s22] =	ssyncadd.s32 s3;
	_ =	sdelay $0x1  }
0xa1: {  	s23 =	simm.s32 $0x1B8B  }
0xa2: {  	_ =	swait.ge [sflag:s23], $0x1  }
0xa3: {  	[sflag:s23] =	ssyncset.done $0x0  }
0xa4: {  	s25 =	simm.s32 $0x1B8E;
	s24 =	sld [smem:$0x3FFE];
	[sflag:s23] =	ssyncadd.s32 $0xFFFFFFFF  }
0xa5: {  	s26 =	simm.s32 $execute0_lowered;
	[smem:$0x3FD2] =	sst s25  }
0xa6: {  	s4 =	sshll.u32 s26, $0x1;
	_ =	strace $0x8000004C;
	[dreg:$0x1] =	wrdreg $0xFFFFFFFF  }
0xa7: {  	s28 =	simm.s32 $_size_execute0_lowered;
	s2 =	sadd.s32 s2, s4;
	[dreg:$0x0] =	wrdreg $0x0  }
0xa8: {  	s4 =	sshll.u32 s28, $0x1;
	[dreg:$0x2] =	wrdreg s2  }
0xa9: {  	[dreg:$0x3] =	wrdreg s4  }
0xaa: {  	[dreg:$0x4] =	wrdreg $0xC0  }
0xab: {  	_ =	task [dreg:s6], $0x5FFFF  }
0xac: {  	[dreg:$0x1] =	wrdreg $0xFFFFFFFF  }
0xad: {  	[dreg:$0x0] =	wrdreg $0x60  }
0xae: {  	[dreg:$0x2] =	wrdreg s24  }
0xaf: {  	[dreg:$0x3] =	wrdreg $0x9  }
0xb0: {  	_ =	task.clear_ibuf [dreg:s6], $0x4FFFF;
	_ =	strace $0x9000004C  }
0xb1: {  	s29 =	simm.s32 $0x9;
	_ =	strace $0x8000004E  }
0xb2: {  	_ =	swait.ge [sflag:s29], $0x1  }
0xb3: {  	[sflag:s29] =	ssyncadd.s32 $0xFFFFFFFF  }
0xb4: {  	_ =	strace $0x9000004E  }
0xb5: {  	_ =	sfence  }
0xb6: {  	s30 =	sld [smem:$0x0];
	_ =	sdelay $0x2  }
0xb7: {  	s31 =	sshll.u32 s1, $0xD;
	s1 =	sshrl.u32 s1, $0x2  }
0xb8: {  	s3 =	sand.u32 $0x4000, s31;
	s1 =	sadd.s32 s1, s30  }
0xb9: {  	s0 =	sor.u32 s3, s0;
	s1 =	sshll.u32 s1, $0x11  }
0xba: {  	s0 =	sor.u32 s1, s0  }
0xbb: {  	s0 =	sadd.s32 $0x8F2B, s0  }
0xbc: {  	[sflag:s0] =	ssyncadd.remote.s32 $0x1  }
0xbd: {  	_ =	sfence.sel $0xFFFF  }
0xbe: {  	[dreg:$0x0] =	wrdreg $0xFFFFFFFF;
	(pc) =	sbr.abs _section_cstart, $3  }
0xbf: {  	[dreg:$0x1] =	wrdreg $0xFFFFFFFF  }
0xc0: {  	_ =	task.clear_ibuf [dreg:s6], $0x2FFFF;
	_ =	strace $0x9FFFFFFF  }
0xc1: {  	(tm) =	ssettm $0x7FFFFFFF  }
tec
execute0_lowered:
.L_overlay_start_1:
0x0: {  	(tag) =	ssettag $0x1  }
0x1: {  	s1 =	srdreg.scid  }
0x2: {  	s0 =	stileid.u32;
	s4 =	rddreg [dreg:$0x0]  }
0x3: {  	s2 =	simm.s32 $0x0;
	s7 =	simm.s32 $0x13900;
	s8 =	simm.s32 $0x1  }
0x4: {  	s9 =	simm.s32 $0x2;
	s10 =	simm.s32 $0x18780;
	s11 =	simm.s32 $0x9C80  }
0x5: {  	s12 =	simm.s32 $0x3;
	s3 =	sand.u32 $0x1, s1;
	s5 =	sshll.u32 s0, $0x1  }
0x6: {  	s13 =	simm.s32 $0x4;
	s14 =	simm.s32 $0x0;
	s5 =	sor.u32 s3, s5  }
0x7: {  	[smem:$0x7FF] =	sst s2;
	s6 =	ssub.s32 $0x2, s3;
	s5 =	smul.u32 $0x1388, s5  }
0x8: {  	s1 =	rddreg [dreg:$0x1];
	_ =	strace $0x8000004D;
	s31 =	sshrl.u32 s6, $0x1  }
0x9: {  	s3 =	sadd.s32 $0x29A00, s4;
	s6 =	ssub.s32 s6, s31;
	s5 =	sadd.s32 s5, s4  }
0xa: {  	v0 =	vimm.f32 $0.0e+00;
	s6 =	smax.u32 s6, $0x1;
	s4 =	sadd.s32 $0x2800, s5;
	s5 =	sadd.s32 $0x33800, s5  }
.LBB2_1:
0xb: {  	[tilespmem:s2], [sflag:$0x1] =	stream.linear.gather [hbm4b:s4+s2], $0x9C40, $0x38;
	[tilespmem:$0x1D600] =	vst v63  }
0xc: {  	s15 =	simm.s32 $0x9CC0  }
0xd: {  	[tilespmem:s7], [sflag:$0x2] =	stream.linear.gather [hbm4b:s3+s2], $0x4E20, $0x38;
	[tilespmem:$0x1D600] =	vst v63  }
0xe: {  	[tilespmem:s15+$0xFFFFFFC0] =	vst v0  }
0xf: {  	[tilespmem:s15+$0x30] =	vst v0  }
0x10: {  	[tilespmem:s15+$0x20] =	vst v0  }
0x11: {  	[tilespmem:s15+$0x10] =	vst v0  }
0x12: {  	[tilespmem:s15+$0x0] =	vst v0  }
0x13: {  	[tilespmem:s15+$0xFFFFFFF0] =	vst v0  }
0x14: {  	s16 =	simm.s32 $0x0;
	[tilespmem:s15+$0xFFFFFFE0] =	vst v0  }
.LBB2_2:
0x15: {  	s16 =	sadd.s32 $0x8, s16;
	[tilespmem:s15+$0xFFFFFFD0] =	vst v0;
	s15 =	sadd.s32 $0x80, s15  }
0x16: {  	[tilespmem:s15+$0xFFFFFFC0] =	vst v0;
	p0 =	slt.u32 s16, $0x9B8  }
0x17: {  	[tilespmem:s15+$0x30] =	vst v0  }
.Ltmp0:
0x18: {  	[tilespmem:s15+$0x20] =	vst v0;
	(pc) =	sbr.rel @p0 .LBB2_2-.Ltmp0, $4  }
0x19: {  	[tilespmem:s15+$0x10] =	vst v0  }
0x1a: {  	[tilespmem:s15+$0x0] =	vst v0  }
0x1b: {  	[tilespmem:s15+$0xFFFFFFF0] =	vst v0  }
0x1c: {  	[tilespmem:s15+$0xFFFFFFE0] =	vst v0  }
0x1d: {  	[tilespmem:s15+$0xFFFFFFD0] =	vst v0  }
0x1e: {  	[tilespmem:$0x13880] =	vst v0  }
0x1f: {  	[tilespmem:$0x13890] =	vst v0  }
0x20: {  	[tilespmem:$0x138A0] =	vst v0  }
0x21: {  	[tilespmem:$0x138B0] =	vst v0  }
0x22: {  	_ =	swait.ge [sflag:s8], $0x9C40  }
0x23: {  	[sflag:s8] =	ssyncset.done $0x0  }
0x24: {  	s15 =	simm.s32 $0x0;
	s16 =	simm.s32 $0x0;
	[sflag:s8] =	ssyncadd.s32 $0xFFFF63C0  }
.LBB2_4:
0x25: {  	s17 =	smul.u32 $0x9C40, s16;
	_ =	sdelay $0x1  }
0x26: {  	_ =	swait.ge [sflag:s9], $0x4E20;
	s18 =	sshrl.u32 s17, $0x3  }
0x27: {  	[sflag:s9] =	ssyncset.done $0x0;
	s18 =	sadd.s32 s3, s18  }
0x28: {  	s31 =	simm.s32 $0x13940;
	[sflag:s9] =	ssyncadd.s32 $0xFFFFB1E0;
	s18 =	sadd.s32 $0x9C4, s18  }
0x29: {  	[tilespmem:s10], [sflag:$0x3] =	stream.linear.gather [hbm4b:s18+s2], $0x4E20, $0x38;
	[tilespmem:$0x1D600] =	vst v63  }
0x2a: {  	v1 =	vld [tilespmem:s31+$0x30]  }
0x2b: {  	v2 =	vld [tilespmem:s31+$0xFFFFFFD0]  }
0x2c: {  	v3 =	vld [tilespmem:s31+$0xFFFFFFE0]  }
0x2d: {  	v4 =	vld [tilespmem:s31+$0xFFFFFFF0]  }
0x2e: {  	v5 =	vld [tilespmem:s31+$0x0]  }
0x2f: {  	v6 =	vld [tilespmem:s31+$0x10];
	v7 =	vand.u32 $0xFFFF, v1  }
0x30: {  	v10 =	vld [tilespmem:s31+$0xFFFFFFC0];
	v8 =	vand.u32 $0xFFFF, v2  }
0x31: {  	v12 =	vld [tilespmem:s31+$0x20];
	v9 =	vand.u32 $0xFFFF, v3  }
0x32: {  	v11 =	vand.u32 $0xFFFF, v4  }
0x33: {  	v13 =	vand.u32 $0xFFFF, v5  }
0x34: {  	v14 =	vand.u32 $0xFFFF, v6;
	v15 =	vld.idx.msk [tilespmem:v7+s15+$0x0], $0xffff  }
0x35: {  	v19 =	vand.u32 $0xFFFF, v10;
	v16 =	vld.idx.msk [tilespmem:v8+s15+$0x0], $0xffff  }
0x36: {  	v21 =	vand.u32 $0xFFFF, v12;
	v17 =	vld.idx.msk [tilespmem:v9+s15+$0x0], $0xffff  }
0x37: {  	v1 =	vshrl.u32 v1, $0x10;
	v20 =	vld.idx.msk [tilespmem:v11+s15+$0x0], $0xffff  }
0x38: {  	v2 =	vshrl.u32 v2, $0x10;
	v22 =	vld.idx.msk [tilespmem:v13+s15+$0x0], $0xffff  }
0x39: {  	v3 =	vshrl.u32 v3, $0x10;
	v23 =	vld.idx.msk [tilespmem:v14+s15+$0x0], $0xffff  }
0x3a: {  	v4 =	vshrl.u32 v4, $0x10;
	v63 =	vld.idx.msk [tilespmem:v19+s15+$0x0], $0xffff  }
0x3b: {  	v10 =	vshrl.u32 v10, $0x10;
	v25 =	vld.idx.msk [tilespmem:v21+s15+$0x0], $0xffff  }
0x3c: {  	v5 =	vshrl.u32 v5, $0x10;
	[tilespmem:v1+s11+$0x0] =	vst.idx.add.f32.msk $0xffff, v15  }
0x3d: {  	v6 =	vshrl.u32 v6, $0x10;
	[tilespmem:v2+s11+$0x0] =	vst.idx.add.f32.msk $0xffff, v16  }
0x3e: {  	v12 =	vshrl.u32 v12, $0x10;
	[tilespmem:v3+s11+$0x0] =	vst.idx.add.f32.msk $0xffff, v17  }
0x3f: {  	v18 =	vadd.s32 $0x2710, v7;
	[tilespmem:v4+s11+$0x0] =	vst.idx.add.f32.msk $0xffff, v20  }
0x40: {  	v31 =	vadd.s32 $0x2710, v8;
	[tilespmem:v10+s11+$0x0] =	vst.idx.add.f32.msk $0xffff, v63  }
0x41: {  	v32 =	vadd.s32 $0x2710, v9;
	[tilespmem:v5+s11+$0x0] =	vst.idx.add.f32.msk $0xffff, v22  }
0x42: {  	v33 =	vadd.s32 $0x2710, v11;
	[tilespmem:v6+s11+$0x0] =	vst.idx.add.f32.msk $0xffff, v23  }
0x43: {  	v34 =	vadd.s32 $0x2710, v13;
	[tilespmem:v12+s11+$0x0] =	vst.idx.add.f32.msk $0xffff, v25  }
0x44: {  	v35 =	vadd.s32 $0x2710, v14;
	v15 =	vld.idx.msk [tilespmem:v18+s15+$0x0], $0xffff  }
0x45: {  	v24 =	vadd.s32 $0x2710, v1;
	v36 =	vld.idx.msk [tilespmem:v31+s15+$0x0], $0xffff  }
0x46: {  	v28 =	vadd.s32 $0x2710, v19;
	v20 =	vld.idx.msk [tilespmem:v32+s15+$0x0], $0xffff  }
0x47: {  	v26 =	vadd.s32 $0x4E20, v7;
	v22 =	vld.idx.msk [tilespmem:v33+s15+$0x0], $0xffff  }
0x48: {  	v39 =	vadd.s32 $0x2710, v2;
	v23 =	vld.idx.msk [tilespmem:v34+s15+$0x0], $0xffff  }
0x49: {  	v40 =	vadd.s32 $0x2710, v3;
	v16 =	vld.idx.msk [tilespmem:v35+s15+$0x0], $0xffff  }
0x4a: {  	v27 =	vadd.s32 $0x2710, v4;
	[tilespmem:v24+s11+$0x0] =	vst.idx.add.f32.msk $0xffff, v15  }
0x4b: {  	v41 =	vadd.s32 $0x2710, v6;
	v15 =	vld.idx.msk [tilespmem:v28+s15+$0x0], $0xffff  }
0x4c: {  	v30 =	vadd.s32 $0x4E20, v1;
	v29 =	vld.idx.msk [tilespmem:v26+s15+$0x0], $0xffff  }
0x4d: {  	v7 =	vadd.s32 $0x7530, v7;
	[tilespmem:v39+s11+$0x0] =	vst.idx.add.f32.msk $0xffff, v36  }
0x4e: {  	v44 =	vadd.s32 $0x4E20, v8;
	[tilespmem:v40+s11+$0x0] =	vst.idx.add.f32.msk $0xffff, v20  }
0x4f: {  	v45 =	vadd.s32 $0x4E20, v9;
	[tilespmem:v27+s11+$0x0] =	vst.idx.add.f32.msk $0xffff, v22  }
0x50: {  	v38 =	vadd.s32 $0x2710, v10;
	[tilespmem:v41+s11+$0x0] =	vst.idx.add.f32.msk $0xffff, v16  }
0x51: {  	v43 =	vadd.s32 $0x4E20, v19;
	[tilespmem:v30+s11+$0x0] =	vst.idx.add.f32.msk $0xffff, v29  }
0x52: {  	v1 =	vadd.s32 $0x7530, v1;
	v7 =	vld.idx.msk [tilespmem:v7+s15+$0x0], $0xffff  }
0x53: {  	v37 =	vadd.s32 $0x2710, v21;
	v49 =	vld.idx.msk [tilespmem:v44+s15+$0x0], $0xffff  }
0x54: {  	v51 =	vadd.s32 $0x4E20, v2;
	v22 =	vld.idx.msk [tilespmem:v45+s15+$0x0], $0xffff  }
0x55: {  	v52 =	vadd.s32 $0x4E20, v3;
	[tilespmem:v38+s11+$0x0] =	vst.idx.add.f32.msk $0xffff, v15  }
0x56: {  	v8 =	vadd.s32 $0x7530, v8;
	v47 =	vld.idx.msk [tilespmem:v43+s15+$0x0], $0xffff  }
0x57: {  	[tilespmem:v1+s11+$0x0] =	vst.idx.add.f32.msk $0xffff, v7;
	v1 =	vadd.s32 $0x2710, v5  }
0x58: {  	v42 =	vadd.s32 $0x2710, v12;
	v7 =	vld.idx.msk [tilespmem:v37+s15+$0x0], $0xffff  }
0x59: {  	v50 =	vadd.s32 $0x4E20, v10;
	[tilespmem:v51+s11+$0x0] =	vst.idx.add.f32.msk $0xffff, v49  }
0x5a: {  	v57 =	vadd.s32 $0x7530, v19;
	[tilespmem:v52+s11+$0x0] =	vst.idx.add.f32.msk $0xffff, v22  }
0x5b: {  	v2 =	vadd.s32 $0x7530, v2;
	v8 =	vld.idx.msk [tilespmem:v8+s15+$0x0], $0xffff  }
0x5c: {  	[tilespmem:v1+s11+$0x0] =	vst.idx.add.f32.msk $0xffff, v23;
	v1 =	vadd.s32 $0x4E20, v11  }
0x5d: {  	[tilespmem:v42+s11+$0x0] =	vst.idx.add.f32.msk $0xffff, v7;
	v7 =	vadd.s32 $0x4E20, v14  }
0x5e: {  	v46 =	vadd.s32 $0x4E20, v13;
	[tilespmem:v50+s11+$0x0] =	vst.idx.add.f32.msk $0xffff, v47  }
0x5f: {  	v48 =	vadd.s32 $0x4E20, v21;
	v60 =	vld.idx.msk [tilespmem:v57+s15+$0x0], $0xffff  }
0x60: {  	v10 =	vadd.s32 $0x7530, v10;
	[tilespmem:v2+s11+$0x0] =	vst.idx.add.f32.msk $0xffff, v8  }
0x61: {  	v53 =	vadd.s32 $0x4E20, v4;
	v1 =	vld.idx.msk [tilespmem:v1+s15+$0x0], $0xffff  }
0x62: {  	v55 =	vadd.s32 $0x4E20, v6;
	v7 =	vld.idx.msk [tilespmem:v7+s15+$0x0], $0xffff  }
0x63: {  	v54 =	vadd.s32 $0x4E20, v5;
	v16 =	vld.idx.msk [tilespmem:v46+s15+$0x0], $0xffff  }
0x64: {  	v56 =	vadd.s32 $0x4E20, v12;
	v17 =	vld.idx.msk [tilespmem:v48+s15+$0x0], $0xffff  }
0x65: {  	v58 =	vadd.s32 $0x7530, v11;
	[tilespmem:v10+s11+$0x0] =	vst.idx.add.f32.msk $0xffff, v60  }
0x66: {  	[tilespmem:v53+s11+$0x0] =	vst.idx.add.f32.msk $0xffff, v1;
	v1 =	vadd.s32 $0x7530, v9  }
0x67: {  	[tilespmem:v55+s11+$0x0] =	vst.idx.add.f32.msk $0xffff, v7;
	v7 =	vadd.s32 $0x7530, v13  }
0x68: {  	v61 =	vadd.s32 $0x7530, v21;
	[tilespmem:v54+s11+$0x0] =	vst.idx.add.f32.msk $0xffff, v16  }
0x69: {  	v59 =	vadd.s32 $0x7530, v14;
	[tilespmem:v56+s11+$0x0] =	vst.idx.add.f32.msk $0xffff, v17  }
0x6a: {  	v63 =	vadd.s32 $0x7530, v4;
	v9 =	vld.idx.msk [tilespmem:v58+s15+$0x0], $0xffff  }
0x6b: {  	v62 =	vadd.s32 $0x7530, v3;
	v1 =	vld.idx.msk [tilespmem:v1+s15+$0x0], $0xffff  }
0x6c: {  	v5 =	vadd.s32 $0x7530, v5;
	v7 =	vld.idx.msk [tilespmem:v7+s15+$0x0], $0xffff  }
0x6d: {  	v3 =	vld.idx.msk [tilespmem:v61+s15+$0x0], $0xffff  }
0x6e: {  	v4 =	vld.idx.msk [tilespmem:v59+s15+$0x0], $0xffff  }
0x6f: {  	[tilespmem:v63+s11+$0x0] =	vst.idx.add.f32.msk $0xffff, v9  }
0x70: {  	[tilespmem:v62+s11+$0x0] =	vst.idx.add.f32.msk $0xffff, v1  }
0x71: {  	s19 =	simm.s32 $0x139C0;
	s18 =	simm.s32 $0x0;
	v2 =	vadd.s32 $0x7530, v6;
	v1 =	vadd.s32 $0x7530, v12;
	[tilespmem:v5+s11+$0x0] =	vst.idx.add.f32.msk $0xffff, v7  }
.LBB2_5:
0x72: {  	v5 =	vld [tilespmem:s19+$0x30];
	s18 =	sadd.s32 $0x8, s18  }
0x73: {  	v6 =	vld [tilespmem:s19+$0xFFFFFFD0];
	p0 =	slt.u32 s18, $0x4D8  }
0x74: {  	v7 =	vld [tilespmem:s19+$0xFFFFFFE0]  }
0x75: {  	v8 =	vld [tilespmem:s19+$0xFFFFFFF0]  }
0x76: {  	v9 =	vld [tilespmem:s19+$0x0]  }
0x77: {  	v10 =	vld [tilespmem:s19+$0x10];
	v11 =	vand.u32 $0xFFFF, v5  }
0x78: {  	v12 =	vand.u32 $0xFFFF, v6;
	v6 =	vshrl.u32 v6, $0x10;
	v13 =	vld [tilespmem:s19+$0x20]  }
0x79: {  	v14 =	vld [tilespmem:s19+$0xFFFFFFC0];
	v15 =	vadd.s32 $0x2710, v12;
	v16 =	vand.u32 $0xFFFF, v7;
	v7 =	vshrl.u32 v7, $0x10  }
0x7a: {  	v17 =	vadd.s32 $0x2710, v16;
	v18 =	vand.u32 $0xFFFF, v8;
	v8 =	vshrl.u32 v8, $0x10;
	[tilespmem:v2+s11+$0x0] =	vst.idx.add.f32.msk $0xffff, v4  }
0x7b: {  	s20 =	simm.s32 $0x0;
	v4 =	vadd.s32 $0x2710, v18;
	v2 =	vand.u32 $0xFFFF, v9;
	v9 =	vshrl.u32 v9, $0x10;
	[tilespmem:v1+s11+$0x0] =	vst.idx.add.f32.msk $0xffff, v3  }
0x7c: {  	v3 =	vadd.s32 $0x2710, v2;
	v1 =	vand.u32 $0xFFFF, v10;
	v10 =	vshrl.u32 v10, $0x10;
	v19 =	vld.idx.msk [tilespmem:v11+s20+$0x0], $0xffff  }
0x7d: {  	v5 =	vshrl.u32 v5, $0x10;
	v20 =	vld.idx.msk [tilespmem:v12+s20+$0x0], $0xffff;
	v21 =	vand.u32 $0xFFFF, v13;
	v13 =	vshrl.u32 v13, $0x10  }
0x7e: {  	v24 =	vadd.s32 $0x2710, v11;
	v22 =	vand.u32 $0xFFFF, v14;
	v14 =	vshrl.u32 v14, $0x10;
	v23 =	vld.idx.msk [tilespmem:v16+s20+$0x0], $0xffff  }
0x7f: {  	v27 =	vadd.s32 $0x2710, v1;
	v28 =	vadd.s32 $0x2710, v21;
	v25 =	vadd.s32 $0x2710, v22;
	v26 =	vld.idx.msk [tilespmem:v18+s20+$0x0], $0xffff  }
0x80: {  	v30 =	vadd.s32 $0x2710, v6;
	v31 =	vadd.s32 $0x2710, v7;
	v29 =	vadd.s32 $0x2710, v14;
	v32 =	vld.idx.msk [tilespmem:v2+s20+$0x0], $0xffff  }
0x81: {  	v33 =	vadd.s32 $0x2710, v8;
	v34 =	vadd.s32 $0x2710, v9;
	v36 =	vadd.s32 $0x2710, v10;
	v35 =	vld.idx.msk [tilespmem:v1+s20+$0x0], $0xffff  }
0x82: {  	v38 =	vadd.s32 $0x4E20, v12;
	v39 =	vadd.s32 $0x2710, v13;
	v37 =	vadd.s32 $0x4E20, v22;
	[tilespmem:v5+s11+$0x0] =	vst.idx.add.f32.msk $0xffff, v19  }
0x83: {  	v40 =	vadd.s32 $0x4E20, v18;
	v41 =	vadd.s32 $0x4E20, v2;
	v19 =	vadd.s32 $0x4E20, v16;
	v24 =	vld.idx.msk [tilespmem:v24+s20+$0x0], $0xffff  }
0x84: {  	v45 =	vadd.s32 $0x2710, v5;
	v43 =	vadd.s32 $0x4E20, v1;
	v44 =	vadd.s32 $0x4E20, v21;
	v42 =	vld.idx.msk [tilespmem:v22+s20+$0x0], $0xffff  }
0x85: {  	v49 =	vadd.s32 $0x4E20, v11;
	v47 =	vadd.s32 $0x4E20, v6;
	v46 =	vadd.s32 $0x4E20, v14;
	v48 =	vld.idx.msk [tilespmem:v21+s20+$0x0], $0xffff  }
0x86: {  	v50 =	vadd.s32 $0x4E20, v8;
	v51 =	vadd.s32 $0x4E20, v9;
	[tilespmem:v6+s11+$0x0] =	vst.idx.add.f32.msk $0xffff, v20;
	v20 =	vadd.s32 $0x4E20, v7  }
0x87: {  	v52 =	vadd.s32 $0x4E20, v13;
	v22 =	vadd.s32 $0x7530, v22;
	[tilespmem:v7+s11+$0x0] =	vst.idx.add.f32.msk $0xffff, v23;
	v23 =	vadd.s32 $0x4E20, v10  }
0x88: {  	v12 =	vadd.s32 $0x7530, v12;
	v18 =	vadd.s32 $0x7530, v18;
	v16 =	vadd.s32 $0x7530, v16;
	[tilespmem:v8+s11+$0x0] =	vst.idx.add.f32.msk $0xffff, v26  }
0x89: {  	v53 =	vadd.s32 $0x7530, v1;
	v21 =	vadd.s32 $0x7530, v21;
	v26 =	vadd.s32 $0x7530, v2;
	[tilespmem:v45+s11+$0x0] =	vst.idx.add.f32.msk $0xffff, v24  }
0x8a: {  	v6 =	vadd.s32 $0x7530, v6;
	v7 =	vadd.s32 $0x7530, v7;
	v24 =	vadd.s32 $0x7530, v14;
	v45 =	vld.idx.msk [tilespmem:v49+s20+$0x0], $0xffff  }
0x8b: {  	v8 =	vadd.s32 $0x7530, v8;
	[tilespmem:v14+s11+$0x0] =	vst.idx.add.f32.msk $0xffff, v42;
	v14 =	vadd.s32 $0x7530, v9;
	v42 =	vadd.s32 $0x4E20, v5  }
0x8c: {  	v1 =	vadd.s32 $0x7530, v13;
	v2 =	vadd.s32 $0x7530, v10;
	[tilespmem:v9+s11+$0x0] =	vst.idx.add.f32.msk $0xffff, v32;
	v9 =	vadd.s32 $0x7530, v11  }
0x8d: {  	[tilespmem:v10+s11+$0x0] =	vst.idx.add.f32.msk $0xffff, v35  }
0x8e: {  	[tilespmem:v13+s11+$0x0] =	vst.idx.add.f32.msk $0xffff, v48  }
0x8f: {  	v10 =	vld.idx.msk [tilespmem:v25+s20+$0x0], $0xffff  }
0x90: {  	[tilespmem:v42+s11+$0x0] =	vst.idx.add.f32.msk $0xffff, v45  }
0x91: {  	v9 =	vld.idx.msk [tilespmem:v9+s20+$0x0], $0xffff  }
0x92: {  	v5 =	vadd.s32 $0x7530, v5;
	v11 =	vld.idx.msk [tilespmem:v15+s20+$0x0], $0xffff  }
0x93: {  	v13 =	vld.idx.msk [tilespmem:v17+s20+$0x0], $0xffff  }
0x94: {  	v4 =	vld.idx.msk [tilespmem:v4+s20+$0x0], $0xffff  }
0x95: {  	v3 =	vld.idx.msk [tilespmem:v3+s20+$0x0], $0xffff  }
0x96: {  	v15 =	vld.idx.msk [tilespmem:v27+s20+$0x0], $0xffff  }
0x97: {  	[tilespmem:v5+s11+$0x0] =	vst.idx.add.f32.msk $0xffff, v9  }
0x98: {  	v5 =	vld.idx.msk [tilespmem:v28+s20+$0x0], $0xffff  }
0x99: {  	[tilespmem:v29+s11+$0x0] =	vst.idx.add.f32.msk $0xffff, v10  }
0x9a: {  	[tilespmem:v30+s11+$0x0] =	vst.idx.add.f32.msk $0xffff, v11  }
0x9b: {  	[tilespmem:v31+s11+$0x0] =	vst.idx.add.f32.msk $0xffff, v13  }
0x9c: {  	[tilespmem:v33+s11+$0x0] =	vst.idx.add.f32.msk $0xffff, v4  }
0x9d: {  	[tilespmem:v34+s11+$0x0] =	vst.idx.add.f32.msk $0xffff, v3  }
0x9e: {  	[tilespmem:v36+s11+$0x0] =	vst.idx.add.f32.msk $0xffff, v15  }
0x9f: {  	[tilespmem:v39+s11+$0x0] =	vst.idx.add.f32.msk $0xffff, v5  }
0xa0: {  	v3 =	vld.idx.msk [tilespmem:v37+s20+$0x0], $0xffff  }
0xa1: {  	v4 =	vld.idx.msk [tilespmem:v38+s20+$0x0], $0xffff  }
0xa2: {  	v5 =	vld.idx.msk [tilespmem:v19+s20+$0x0], $0xffff  }
0xa3: {  	v9 =	vld.idx.msk [tilespmem:v40+s20+$0x0], $0xffff  }
0xa4: {  	v10 =	vld.idx.msk [tilespmem:v41+s20+$0x0], $0xffff  }
0xa5: {  	v11 =	vld.idx.msk [tilespmem:v43+s20+$0x0], $0xffff  }
0xa6: {  	v13 =	vld.idx.msk [tilespmem:v44+s20+$0x0], $0xffff  }
0xa7: {  	[tilespmem:v46+s11+$0x0] =	vst.idx.add.f32.msk $0xffff, v3  }
0xa8: {  	[tilespmem:v47+s11+$0x0] =	vst.idx.add.f32.msk $0xffff, v4  }
0xa9: {  	[tilespmem:v20+s11+$0x0] =	vst.idx.add.f32.msk $0xffff, v5  }
0xaa: {  	[tilespmem:v50+s11+$0x0] =	vst.idx.add.f32.msk $0xffff, v9  }
0xab: {  	[tilespmem:v51+s11+$0x0] =	vst.idx.add.f32.msk $0xffff, v10  }
0xac: {  	[tilespmem:v23+s11+$0x0] =	vst.idx.add.f32.msk $0xffff, v11  }
0xad: {  	[tilespmem:v52+s11+$0x0] =	vst.idx.add.f32.msk $0xffff, v13  }
0xae: {  	v5 =	vld.idx.msk [tilespmem:v22+s20+$0x0], $0xffff  }
0xaf: {  	v9 =	vld.idx.msk [tilespmem:v12+s20+$0x0], $0xffff  }
0xb0: {  	v10 =	vld.idx.msk [tilespmem:v16+s20+$0x0], $0xffff  }
0xb1: {  	v11 =	vld.idx.msk [tilespmem:v18+s20+$0x0], $0xffff  }
0xb2: {  	v12 =	vld.idx.msk [tilespmem:v26+s20+$0x0], $0xffff  }
0xb3: {  	v4 =	vld.idx.msk [tilespmem:v53+s20+$0x0], $0xffff  }
0xb4: {  	v3 =	vld.idx.msk [tilespmem:v21+s20+$0x0], $0xffff  }
.Ltmp1:
0xb5: {  	[tilespmem:v24+s11+$0x0] =	vst.idx.add.f32.msk $0xffff, v5;
	(pc) =	sbr.rel @p0 .LBB2_5-.Ltmp1, $4  }
0xb6: {  	[tilespmem:v6+s11+$0x0] =	vst.idx.add.f32.msk $0xffff, v9  }
0xb7: {  	[tilespmem:v7+s11+$0x0] =	vst.idx.add.f32.msk $0xffff, v10  }
0xb8: {  	[tilespmem:v8+s11+$0x0] =	vst.idx.add.f32.msk $0xffff, v11  }
0xb9: {  	s19 =	sadd.s32 $0x80, s19;
	[tilespmem:v14+s11+$0x0] =	vst.idx.add.f32.msk $0xffff, v12  }
0xba: {  	_ =	sdelay $0x3  }
0xbb: {  	[tilespmem:v2+s11+$0x0] =	vst.idx.add.f32.msk $0xffff, v4  }
0xbc: {  	[tilespmem:v1+s11+$0x0] =	vst.idx.add.f32.msk $0xffff, v3  }
.LBB2_7:
0xbd: {  	s18 =	sshra.s32 s20, $0x2  }
0xbe: {  	v1 =	vld [tilespmem:s18+$0x18700];
	_ =	sdelay $0x4  }
0xbf: {  	v2 =	vand.u32 $0xFFFF, v1;
	_ =	sdelay $0x4  }
0xc0: {  	v1 =	vshrl.u32 v1, $0x10;
	v3 =	vld.idx.msk [tilespmem:v2+s2+$0x0], $0xffff  }
0xc1: {  	v4 =	vadd.s32 $0x2710, v2;
	_ =	sdelay $0x3  }
0xc2: {  	[tilespmem:v1+s11+$0x0] =	vst.idx.add.f32.msk $0xffff, v3  }
0xc3: {  	v62 =	vadd.s32 $0x2710, v1;
	v3 =	vld.idx.msk [tilespmem:v4+s2+$0x0], $0xffff  }
0xc4: {  	v5 =	vadd.s32 $0x4E20, v2;
	_ =	sdelay $0x3  }
0xc5: {  	[tilespmem:v62+s11+$0x0] =	vst.idx.add.f32.msk $0xffff, v3  }
0xc6: {  	v63 =	vadd.s32 $0x4E20, v1;
	v3 =	vld.idx.msk [tilespmem:v5+s2+$0x0], $0xffff  }
0xc7: {  	v2 =	vadd.s32 $0x7530, v2;
	_ =	sdelay $0x3  }
0xc8: {  	[tilespmem:v63+s11+$0x0] =	vst.idx.add.f32.msk $0xffff, v3  }
0xc9: {  	p0 =	sne.s32 s20, $0x40;
	v1 =	vadd.s32 $0x7530, v1;
	v2 =	vld.idx.msk [tilespmem:v2+s2+$0x0], $0xffff  }
.Ltmp2:
0xca: {  	_ = 	snop;
	(pc) =	sbr.rel @p0 .LBB2_7-.Ltmp2, $2  }
0xcb: {  	_ =	sdelay $0x2  }
0xcc: {  	s20 =	sadd.s32 $0x40, s20;
	[tilespmem:v1+s11+$0x0] =	vst.idx.add.f32.msk $0xffff, v2  }
0xcd: {  	p0 =	seq.s32 s16, $0x7  }
0xce: {  	_ =	swait.ge [sflag:s12], $0x4E20;
	s31 =	simm.s32 $0x187C0;
	s17 =	sshrl.u32 @!p0 s17, $0x3  }
0xcf: {  	[sflag:s12] =	ssyncset.done $0x0;
	s18 =	simm.s32 @!p0 $0x0;
	s17 =	sadd.s32 @!p0 s3, s17  }
0xd0: {  	s19 =	simm.s32 @!p0 $0x13900;
	[sflag:s12] =	ssyncadd.s32 $0xFFFFB1E0;
	s17 =	sadd.s32 @!p0 $0x1388, s17  }
0xd1: {  	[tilespmem:s19], [sflag:$0x2] =	stream.linear.gather @!p0 [hbm4b:s17+s18], $0x4E20, $0x38;
	[tilespmem:$0x1D600] =	vst v63  }
0xd2: {  	v1 =	vld [tilespmem:s31+$0x30]  }
0xd3: {  	v2 =	vld [tilespmem:s31+$0xFFFFFFD0]  }
0xd4: {  	v3 =	vld [tilespmem:s31+$0xFFFFFFE0]  }
0xd5: {  	v4 =	vld [tilespmem:s31+$0xFFFFFFF0]  }
0xd6: {  	v5 =	vld [tilespmem:s31+$0x0]  }
0xd7: {  	v6 =	vld [tilespmem:s31+$0x10];
	v7 =	vand.u32 $0xFFFF, v1  }
0xd8: {  	v10 =	vld [tilespmem:s31+$0xFFFFFFC0];
	v8 =	vand.u32 $0xFFFF, v2  }
0xd9: {  	v12 =	vld [tilespmem:s31+$0x20];
	v9 =	vand.u32 $0xFFFF, v3  }
0xda: {  	v11 =	vand.u32 $0xFFFF, v4  }
0xdb: {  	s17 =	simm.s32 $0x0;
	v13 =	vand.u32 $0xFFFF, v5  }
0xdc: {  	v14 =	vand.u32 $0xFFFF, v6;
	v15 =	vld.idx.msk [tilespmem:v7+s17+$0x0], $0xffff  }
0xdd: {  	v19 =	vand.u32 $0xFFFF, v10;
	v16 =	vld.idx.msk [tilespmem:v8+s17+$0x0], $0xffff  }
0xde: {  	v21 =	vand.u32 $0xFFFF, v12;
	v17 =	vld.idx.msk [tilespmem:v9+s17+$0x0], $0xffff  }
0xdf: {  	v1 =	vshrl.u32 v1, $0x10;
	v20 =	vld.idx.msk [tilespmem:v11+s17+$0x0], $0xffff  }
0xe0: {  	v2 =	vshrl.u32 v2, $0x10;
	v22 =	vld.idx.msk [tilespmem:v13+s17+$0x0], $0xffff  }
0xe1: {  	v3 =	vshrl.u32 v3, $0x10;
	v23 =	vld.idx.msk [tilespmem:v14+s17+$0x0], $0xffff  }
0xe2: {  	v4 =	vshrl.u32 v4, $0x10;
	v63 =	vld.idx.msk [tilespmem:v19+s17+$0x0], $0xffff  }
0xe3: {  	v10 =	vshrl.u32 v10, $0x10;
	v25 =	vld.idx.msk [tilespmem:v21+s17+$0x0], $0xffff  }
0xe4: {  	v5 =	vshrl.u32 v5, $0x10;
	[tilespmem:v1+s11+$0x0] =	vst.idx.add.f32.msk $0xffff, v15  }
0xe5: {  	v6 =	vshrl.u32 v6, $0x10;
	[tilespmem:v2+s11+$0x0] =	vst.idx.add.f32.msk $0xffff, v16  }
0xe6: {  	v12 =	vshrl.u32 v12, $0x10;
	[tilespmem:v3+s11+$0x0] =	vst.idx.add.f32.msk $0xffff, v17  }
0xe7: {  	v18 =	vadd.s32 $0x2710, v7;
	[tilespmem:v4+s11+$0x0] =	vst.idx.add.f32.msk $0xffff, v20  }
0xe8: {  	v31 =	vadd.s32 $0x2710, v8;
	[tilespmem:v10+s11+$0x0] =	vst.idx.add.f32.msk $0xffff, v63  }
0xe9: {  	v32 =	vadd.s32 $0x2710, v9;
	[tilespmem:v5+s11+$0x0] =	vst.idx.add.f32.msk $0xffff, v22  }
0xea: {  	v33 =	vadd.s32 $0x2710, v11;
	[tilespmem:v6+s11+$0x0] =	vst.idx.add.f32.msk $0xffff, v23  }
0xeb: {  	v34 =	vadd.s32 $0x2710, v13;
	[tilespmem:v12+s11+$0x0] =	vst.idx.add.f32.msk $0xffff, v25  }
0xec: {  	v35 =	vadd.s32 $0x2710, v14;
	v15 =	vld.idx.msk [tilespmem:v18+s17+$0x0], $0xffff  }
0xed: {  	v24 =	vadd.s32 $0x2710, v1;
	v36 =	vld.idx.msk [tilespmem:v31+s17+$0x0], $0xffff  }
0xee: {  	v28 =	vadd.s32 $0x2710, v19;
	v20 =	vld.idx.msk [tilespmem:v32+s17+$0x0], $0xffff  }
0xef: {  	v26 =	vadd.s32 $0x4E20, v7;
	v22 =	vld.idx.msk [tilespmem:v33+s17+$0x0], $0xffff  }
0xf0: {  	v39 =	vadd.s32 $0x2710, v2;
	v23 =	vld.idx.msk [tilespmem:v34+s17+$0x0], $0xffff  }
0xf1: {  	v40 =	vadd.s32 $0x2710, v3;
	v16 =	vld.idx.msk [tilespmem:v35+s17+$0x0], $0xffff  }
0xf2: {  	v27 =	vadd.s32 $0x2710, v4;
	[tilespmem:v24+s11+$0x0] =	vst.idx.add.f32.msk $0xffff, v15  }
0xf3: {  	v41 =	vadd.s32 $0x2710, v6;
	v15 =	vld.idx.msk [tilespmem:v28+s17+$0x0], $0xffff  }
0xf4: {  	v30 =	vadd.s32 $0x4E20, v1;
	v29 =	vld.idx.msk [tilespmem:v26+s17+$0x0], $0xffff  }
0xf5: {  	v7 =	vadd.s32 $0x7530, v7;
	[tilespmem:v39+s11+$0x0] =	vst.idx.add.f32.msk $0xffff, v36  }
0xf6: {  	v44 =	vadd.s32 $0x4E20, v8;
	[tilespmem:v40+s11+$0x0] =	vst.idx.add.f32.msk $0xffff, v20  }
0xf7: {  	v45 =	vadd.s32 $0x4E20, v9;
	[tilespmem:v27+s11+$0x0] =	vst.idx.add.f32.msk $0xffff, v22  }
0xf8: {  	v38 =	vadd.s32 $0x2710, v10;
	[tilespmem:v41+s11+$0x0] =	vst.idx.add.f32.msk $0xffff, v16  }
0xf9: {  	v43 =	vadd.s32 $0x4E20, v19;
	[tilespmem:v30+s11+$0x0] =	vst.idx.add.f32.msk $0xffff, v29  }
0xfa: {  	v1 =	vadd.s32 $0x7530, v1;
	v7 =	vld.idx.msk [tilespmem:v7+s17+$0x0], $0xffff  }
0xfb: {  	v37 =	vadd.s32 $0x2710, v21;
	v49 =	vld.idx.msk [tilespmem:v44+s17+$0x0], $0xffff  }
0xfc: {  	v51 =	vadd.s32 $0x4E20, v2;
	v22 =	vld.idx.msk [tilespmem:v45+s17+$0x0], $0xffff  }
0xfd: {  	v52 =	vadd.s32 $0x4E20, v3;
	[tilespmem:v38+s11+$0x0] =	vst.idx.add.f32.msk $0xffff, v15  }
0xfe: {  	v8 =	vadd.s32 $0x7530, v8;
	v47 =	vld.idx.msk [tilespmem:v43+s17+$0x0], $0xffff  }
0xff: {  	[tilespmem:v1+s11+$0x0] =	vst.idx.add.f32.msk $0xffff, v7;
	v1 =	vadd.s32 $0x2710, v5  }
0x100: {  	v42 =	vadd.s32 $0x2710, v12;
	v7 =	vld.idx.msk [tilespmem:v37+s17+$0x0], $0xffff  }
0x101: {  	v50 =	vadd.s32 $0x4E20, v10;
	[tilespmem:v51+s11+$0x0] =	vst.idx.add.f32.msk $0xffff, v49  }
0x102: {  	v57 =	vadd.s32 $0x7530, v19;
	[tilespmem:v52+s11+$0x0] =	vst.idx.add.f32.msk $0xffff, v22  }
0x103: {  	v2 =	vadd.s32 $0x7530, v2;
	v8 =	vld.idx.msk [tilespmem:v8+s17+$0x0], $0xffff  }
0x104: {  	[tilespmem:v1+s11+$0x0] =	vst.idx.add.f32.msk $0xffff, v23;
	v1 =	vadd.s32 $0x4E20, v11  }
0x105: {  	[tilespmem:v42+s11+$0x0] =	vst.idx.add.f32.msk $0xffff, v7;
	v7 =	vadd.s32 $0x4E20, v14  }
0x106: {  	v46 =	vadd.s32 $0x4E20, v13;
	[tilespmem:v50+s11+$0x0] =	vst.idx.add.f32.msk $0xffff, v47  }
0x107: {  	v48 =	vadd.s32 $0x4E20, v21;
	v60 =	vld.idx.msk [tilespmem:v57+s17+$0x0], $0xffff  }
0x108: {  	v10 =	vadd.s32 $0x7530, v10;
	[tilespmem:v2+s11+$0x0] =	vst.idx.add.f32.msk $0xffff, v8  }
0x109: {  	v53 =	vadd.s32 $0x4E20, v4;
	v1 =	vld.idx.msk [tilespmem:v1+s17+$0x0], $0xffff  }
0x10a: {  	v55 =	vadd.s32 $0x4E20, v6;
	v7 =	vld.idx.msk [tilespmem:v7+s17+$0x0], $0xffff  }
0x10b: {  	v54 =	vadd.s32 $0x4E20, v5;
	v16 =	vld.idx.msk [tilespmem:v46+s17+$0x0], $0xffff  }
0x10c: {  	v56 =	vadd.s32 $0x4E20, v12;
	v17 =	vld.idx.msk [tilespmem:v48+s17+$0x0], $0xffff  }
0x10d: {  	v58 =	vadd.s32 $0x7530, v11;
	[tilespmem:v10+s11+$0x0] =	vst.idx.add.f32.msk $0xffff, v60  }
0x10e: {  	[tilespmem:v53+s11+$0x0] =	vst.idx.add.f32.msk $0xffff, v1;
	v1 =	vadd.s32 $0x7530, v9  }
0x10f: {  	[tilespmem:v55+s11+$0x0] =	vst.idx.add.f32.msk $0xffff, v7;
	v7 =	vadd.s32 $0x7530, v13  }
0x110: {  	v61 =	vadd.s32 $0x7530, v21;
	[tilespmem:v54+s11+$0x0] =	vst.idx.add.f32.msk $0xffff, v16  }
0x111: {  	v59 =	vadd.s32 $0x7530, v14;
	[tilespmem:v56+s11+$0x0] =	vst.idx.add.f32.msk $0xffff, v17  }
0x112: {  	v63 =	vadd.s32 $0x7530, v4;
	v9 =	vld.idx.msk [tilespmem:v58+s17+$0x0], $0xffff  }
0x113: {  	v62 =	vadd.s32 $0x7530, v3;
	v1 =	vld.idx.msk [tilespmem:v1+s17+$0x0], $0xffff  }
0x114: {  	v5 =	vadd.s32 $0x7530, v5;
	v7 =	vld.idx.msk [tilespmem:v7+s17+$0x0], $0xffff  }
0x115: {  	v3 =	vld.idx.msk [tilespmem:v61+s17+$0x0], $0xffff  }
0x116: {  	v4 =	vld.idx.msk [tilespmem:v59+s17+$0x0], $0xffff  }
0x117: {  	[tilespmem:v63+s11+$0x0] =	vst.idx.add.f32.msk $0xffff, v9  }
0x118: {  	[tilespmem:v62+s11+$0x0] =	vst.idx.add.f32.msk $0xffff, v1  }
0x119: {  	s18 =	simm.s32 $0x0;
	s19 =	simm.s32 $0x18840;
	v2 =	vadd.s32 $0x7530, v6;
	v1 =	vadd.s32 $0x7530, v12;
	[tilespmem:v5+s11+$0x0] =	vst.idx.add.f32.msk $0xffff, v7  }
.LBB2_9:
0x11a: {  	v5 =	vld [tilespmem:s19+$0x30];
	s18 =	sadd.s32 $0x8, s18  }
0x11b: {  	v6 =	vld [tilespmem:s19+$0xFFFFFFD0];
	p0 =	slt.u32 s18, $0x4D8  }
0x11c: {  	v7 =	vld [tilespmem:s19+$0xFFFFFFE0]  }
0x11d: {  	v8 =	vld [tilespmem:s19+$0xFFFFFFF0]  }
0x11e: {  	v9 =	vld [tilespmem:s19+$0x0]  }
0x11f: {  	v10 =	vld [tilespmem:s19+$0x10];
	v11 =	vand.u32 $0xFFFF, v5  }
0x120: {  	v12 =	vand.u32 $0xFFFF, v6;
	v6 =	vshrl.u32 v6, $0x10;
	v13 =	vld [tilespmem:s19+$0x20]  }
0x121: {  	v14 =	vld [tilespmem:s19+$0xFFFFFFC0];
	v15 =	vadd.s32 $0x2710, v12;
	v16 =	vand.u32 $0xFFFF, v7;
	v7 =	vshrl.u32 v7, $0x10  }
0x122: {  	v17 =	vadd.s32 $0x2710, v16;
	v18 =	vand.u32 $0xFFFF, v8;
	v8 =	vshrl.u32 v8, $0x10;
	[tilespmem:v2+s11+$0x0] =	vst.idx.add.f32.msk $0xffff, v4  }
0x123: {  	v4 =	vadd.s32 $0x2710, v18;
	v2 =	vand.u32 $0xFFFF, v9;
	v9 =	vshrl.u32 v9, $0x10;
	[tilespmem:v1+s11+$0x0] =	vst.idx.add.f32.msk $0xffff, v3  }
0x124: {  	v3 =	vadd.s32 $0x2710, v2;
	v1 =	vand.u32 $0xFFFF, v10;
	v10 =	vshrl.u32 v10, $0x10;
	v19 =	vld.idx.msk [tilespmem:v11+s17+$0x0], $0xffff  }
0x125: {  	v5 =	vshrl.u32 v5, $0x10;
	v20 =	vld.idx.msk [tilespmem:v12+s17+$0x0], $0xffff;
	v21 =	vand.u32 $0xFFFF, v13;
	v13 =	vshrl.u32 v13, $0x10  }
0x126: {  	v24 =	vadd.s32 $0x2710, v11;
	v22 =	vand.u32 $0xFFFF, v14;
	v14 =	vshrl.u32 v14, $0x10;
	v23 =	vld.idx.msk [tilespmem:v16+s17+$0x0], $0xffff  }
0x127: {  	v27 =	vadd.s32 $0x2710, v1;
	v28 =	vadd.s32 $0x2710, v21;
	v25 =	vadd.s32 $0x2710, v22;
	v26 =	vld.idx.msk [tilespmem:v18+s17+$0x0], $0xffff  }
0x128: {  	v30 =	vadd.s32 $0x2710, v6;
	v31 =	vadd.s32 $0x2710, v7;
	v29 =	vadd.s32 $0x2710, v14;
	v32 =	vld.idx.msk [tilespmem:v2+s17+$0x0], $0xffff  }
0x129: {  	v33 =	vadd.s32 $0x2710, v8;
	v34 =	vadd.s32 $0x2710, v9;
	v36 =	vadd.s32 $0x2710, v10;
	v35 =	vld.idx.msk [tilespmem:v1+s17+$0x0], $0xffff  }
0x12a: {  	v38 =	vadd.s32 $0x4E20, v12;
	v39 =	vadd.s32 $0x2710, v13;
	v37 =	vadd.s32 $0x4E20, v22;
	[tilespmem:v5+s11+$0x0] =	vst.idx.add.f32.msk $0xffff, v19  }
0x12b: {  	v40 =	vadd.s32 $0x4E20, v18;
	v41 =	vadd.s32 $0x4E20, v2;
	v19 =	vadd.s32 $0x4E20, v16;
	v24 =	vld.idx.msk [tilespmem:v24+s17+$0x0], $0xffff  }
0x12c: {  	v45 =	vadd.s32 $0x2710, v5;
	v43 =	vadd.s32 $0x4E20, v1;
	v44 =	vadd.s32 $0x4E20, v21;
	v42 =	vld.idx.msk [tilespmem:v22+s17+$0x0], $0xffff  }
0x12d: {  	v49 =	vadd.s32 $0x4E20, v11;
	v47 =	vadd.s32 $0x4E20, v6;
	v46 =	vadd.s32 $0x4E20, v14;
	v48 =	vld.idx.msk [tilespmem:v21+s17+$0x0], $0xffff  }
0x12e: {  	v50 =	vadd.s32 $0x4E20, v8;
	v51 =	vadd.s32 $0x4E20, v9;
	[tilespmem:v6+s11+$0x0] =	vst.idx.add.f32.msk $0xffff, v20;
	v20 =	vadd.s32 $0x4E20, v7  }
0x12f: {  	v52 =	vadd.s32 $0x4E20, v13;
	v22 =	vadd.s32 $0x7530, v22;
	[tilespmem:v7+s11+$0x0] =	vst.idx.add.f32.msk $0xffff, v23;
	v23 =	vadd.s32 $0x4E20, v10  }
0x130: {  	v12 =	vadd.s32 $0x7530, v12;
	v18 =	vadd.s32 $0x7530, v18;
	v16 =	vadd.s32 $0x7530, v16;
	[tilespmem:v8+s11+$0x0] =	vst.idx.add.f32.msk $0xffff, v26  }
0x131: {  	v53 =	vadd.s32 $0x7530, v1;
	v21 =	vadd.s32 $0x7530, v21;
	v26 =	vadd.s32 $0x7530, v2;
	[tilespmem:v45+s11+$0x0] =	vst.idx.add.f32.msk $0xffff, v24  }
0x132: {  	v6 =	vadd.s32 $0x7530, v6;
	v7 =	vadd.s32 $0x7530, v7;
	v24 =	vadd.s32 $0x7530, v14;
	v45 =	vld.idx.msk [tilespmem:v49+s17+$0x0], $0xffff  }
0x133: {  	v8 =	vadd.s32 $0x7530, v8;
	[tilespmem:v14+s11+$0x0] =	vst.idx.add.f32.msk $0xffff, v42;
	v14 =	vadd.s32 $0x7530, v9;
	v42 =	vadd.s32 $0x4E20, v5  }
0x134: {  	v1 =	vadd.s32 $0x7530, v13;
	v2 =	vadd.s32 $0x7530, v10;
	[tilespmem:v9+s11+$0x0] =	vst.idx.add.f32.msk $0xffff, v32;
	v9 =	vadd.s32 $0x7530, v11  }
0x135: {  	[tilespmem:v10+s11+$0x0] =	vst.idx.add.f32.msk $0xffff, v35  }
0x136: {  	[tilespmem:v13+s11+$0x0] =	vst.idx.add.f32.msk $0xffff, v48  }
0x137: {  	v10 =	vld.idx.msk [tilespmem:v25+s17+$0x0], $0xffff  }
0x138: {  	[tilespmem:v42+s11+$0x0] =	vst.idx.add.f32.msk $0xffff, v45  }
0x139: {  	v9 =	vld.idx.msk [tilespmem:v9+s17+$0x0], $0xffff  }
0x13a: {  	v5 =	vadd.s32 $0x7530, v5;
	v11 =	vld.idx.msk [tilespmem:v15+s17+$0x0], $0xffff  }
0x13b: {  	v13 =	vld.idx.msk [tilespmem:v17+s17+$0x0], $0xffff  }
0x13c: {  	v4 =	vld.idx.msk [tilespmem:v4+s17+$0x0], $0xffff  }
0x13d: {  	v3 =	vld.idx.msk [tilespmem:v3+s17+$0x0], $0xffff  }
0x13e: {  	v15 =	vld.idx.msk [tilespmem:v27+s17+$0x0], $0xffff  }
0x13f: {  	[tilespmem:v5+s11+$0x0] =	vst.idx.add.f32.msk $0xffff, v9  }
0x140: {  	v5 =	vld.idx.msk [tilespmem:v28+s17+$0x0], $0xffff  }
0x141: {  	[tilespmem:v29+s11+$0x0] =	vst.idx.add.f32.msk $0xffff, v10  }
0x142: {  	[tilespmem:v30+s11+$0x0] =	vst.idx.add.f32.msk $0xffff, v11  }
0x143: {  	[tilespmem:v31+s11+$0x0] =	vst.idx.add.f32.msk $0xffff, v13  }
0x144: {  	[tilespmem:v33+s11+$0x0] =	vst.idx.add.f32.msk $0xffff, v4  }
0x145: {  	[tilespmem:v34+s11+$0x0] =	vst.idx.add.f32.msk $0xffff, v3  }
0x146: {  	[tilespmem:v36+s11+$0x0] =	vst.idx.add.f32.msk $0xffff, v15  }
0x147: {  	[tilespmem:v39+s11+$0x0] =	vst.idx.add.f32.msk $0xffff, v5  }
0x148: {  	v3 =	vld.idx.msk [tilespmem:v37+s17+$0x0], $0xffff  }
0x149: {  	v4 =	vld.idx.msk [tilespmem:v38+s17+$0x0], $0xffff  }
0x14a: {  	v5 =	vld.idx.msk [tilespmem:v19+s17+$0x0], $0xffff  }
0x14b: {  	v9 =	vld.idx.msk [tilespmem:v40+s17+$0x0], $0xffff  }
0x14c: {  	v10 =	vld.idx.msk [tilespmem:v41+s17+$0x0], $0xffff  }
0x14d: {  	v11 =	vld.idx.msk [tilespmem:v43+s17+$0x0], $0xffff  }
0x14e: {  	v13 =	vld.idx.msk [tilespmem:v44+s17+$0x0], $0xffff  }
0x14f: {  	[tilespmem:v46+s11+$0x0] =	vst.idx.add.f32.msk $0xffff, v3  }
0x150: {  	[tilespmem:v47+s11+$0x0] =	vst.idx.add.f32.msk $0xffff, v4  }
0x151: {  	[tilespmem:v20+s11+$0x0] =	vst.idx.add.f32.msk $0xffff, v5  }
0x152: {  	[tilespmem:v50+s11+$0x0] =	vst.idx.add.f32.msk $0xffff, v9  }
0x153: {  	[tilespmem:v51+s11+$0x0] =	vst.idx.add.f32.msk $0xffff, v10  }
0x154: {  	[tilespmem:v23+s11+$0x0] =	vst.idx.add.f32.msk $0xffff, v11  }
0x155: {  	[tilespmem:v52+s11+$0x0] =	vst.idx.add.f32.msk $0xffff, v13  }
0x156: {  	v5 =	vld.idx.msk [tilespmem:v22+s17+$0x0], $0xffff  }
0x157: {  	v9 =	vld.idx.msk [tilespmem:v12+s17+$0x0], $0xffff  }
0x158: {  	v10 =	vld.idx.msk [tilespmem:v16+s17+$0x0], $0xffff  }
0x159: {  	v11 =	vld.idx.msk [tilespmem:v18+s17+$0x0], $0xffff  }
0x15a: {  	v12 =	vld.idx.msk [tilespmem:v26+s17+$0x0], $0xffff  }
0x15b: {  	v4 =	vld.idx.msk [tilespmem:v53+s17+$0x0], $0xffff  }
0x15c: {  	v3 =	vld.idx.msk [tilespmem:v21+s17+$0x0], $0xffff  }
.Ltmp3:
0x15d: {  	[tilespmem:v24+s11+$0x0] =	vst.idx.add.f32.msk $0xffff, v5;
	(pc) =	sbr.rel @p0 .LBB2_9-.Ltmp3, $4  }
0x15e: {  	[tilespmem:v6+s11+$0x0] =	vst.idx.add.f32.msk $0xffff, v9  }
0x15f: {  	[tilespmem:v7+s11+$0x0] =	vst.idx.add.f32.msk $0xffff, v10  }
0x160: {  	[tilespmem:v8+s11+$0x0] =	vst.idx.add.f32.msk $0xffff, v11  }
0x161: {  	s19 =	sadd.s32 $0x80, s19;
	[tilespmem:v14+s11+$0x0] =	vst.idx.add.f32.msk $0xffff, v12  }
0x162: {  	_ =	sdelay $0x3  }
0x163: {  	[tilespmem:v2+s11+$0x0] =	vst.idx.add.f32.msk $0xffff, v4  }
0x164: {  	[tilespmem:v1+s11+$0x0] =	vst.idx.add.f32.msk $0xffff, v3  }
.LBB2_11:
0x165: {  	s18 =	sshra.s32 s17, $0x2  }
0x166: {  	v1 =	vld [tilespmem:s18+$0x1D580];
	_ =	sdelay $0x4  }
0x167: {  	v2 =	vand.u32 $0xFFFF, v1;
	_ =	sdelay $0x4  }
0x168: {  	v1 =	vshrl.u32 v1, $0x10;
	v3 =	vld.idx.msk [tilespmem:v2+s2+$0x0], $0xffff  }
0x169: {  	v4 =	vadd.s32 $0x2710, v2;
	_ =	sdelay $0x3  }
0x16a: {  	[tilespmem:v1+s11+$0x0] =	vst.idx.add.f32.msk $0xffff, v3  }
0x16b: {  	v62 =	vadd.s32 $0x2710, v1;
	v3 =	vld.idx.msk [tilespmem:v4+s2+$0x0], $0xffff  }
0x16c: {  	v5 =	vadd.s32 $0x4E20, v2;
	_ =	sdelay $0x3  }
0x16d: {  	[tilespmem:v62+s11+$0x0] =	vst.idx.add.f32.msk $0xffff, v3  }
0x16e: {  	v63 =	vadd.s32 $0x4E20, v1;
	v3 =	vld.idx.msk [tilespmem:v5+s2+$0x0], $0xffff  }
0x16f: {  	v2 =	vadd.s32 $0x7530, v2;
	_ =	sdelay $0x3  }
0x170: {  	[tilespmem:v63+s11+$0x0] =	vst.idx.add.f32.msk $0xffff, v3  }
0x171: {  	p0 =	sne.s32 s17, $0x40;
	v1 =	vadd.s32 $0x7530, v1;
	v2 =	vld.idx.msk [tilespmem:v2+s2+$0x0], $0xffff  }
.Ltmp4:
0x172: {  	_ = 	snop;
	(pc) =	sbr.rel @p0 .LBB2_11-.Ltmp4, $2  }
0x173: {  	_ =	sdelay $0x2  }
0x174: {  	s17 =	sadd.s32 $0x40, s17;
	[tilespmem:v1+s11+$0x0] =	vst.idx.add.f32.msk $0xffff, v2  }
0x175: {  	s16 =	sadd.s32 $0x1, s16  }
0x176: {  	p0 =	sne.s32 s16, $0x8  }
.Ltmp5:
0x177: {  	_ = 	snop;
	(pc) =	sbr.rel @p0 .LBB2_4-.Ltmp5, $1  }
0x178: {  	_ =	sdelay $0x3  }
0x179: {  	s14 =	sadd.s32 $0x1, s14  }
0x17a: {  	p0 =	sne.s32 s14, s6  }
.Ltmp6:
0x17b: {  	_ = 	snop;
	(pc) =	sbr.rel @p0 .LBB2_1-.Ltmp6, $4  }
0x17c: {  	[hbm4b:s5+s2] =	stream.linear.scatter [tilespmem:s11], [sflag:$0x4], $0x9C40, $0x38;
	[tilespmem:$0x1D600] =	vst v63  }
0x17d: {  	_ =	swait.ge [sflag:s13], $0x9C40  }
0x17e: {  	[sflag:s13] =	ssyncset.done $0x0  }
0x17f: {  	[sflag:s13] =	ssyncadd.s32 $0xFFFF63C0  }
0x180: {  	_ =	sfence.sel $0x180000  }
0x181: {  	[bflag:$0x0] =	sbarrier.arrive $0xFFFF  }
0x182: {  	p0 =	sne.s32 s0, $0x0;
	_ =	strace $0x9000004D  }
0x183: {  	s0 =	sadd.s32 @!p0 $0x100000, s1;
	[bflag:$0x2] =	sbarrier.arrive $0xFFFF  }
0x184: {  	[sflag:s0] =	ssyncadd.tile.s32 @!p0 $0x1;
	_ =	shalt  }
.Lfunc_end2:
_tile_overlayer_lowered:
.L_overlay_start_2:
0x185: {  	(tag) =	ssettag $0x2  }
0x186: {  	s0 =	rddreg [dreg:$0x0];
	s2 =	stileid.u32  }
0x187: {  	s1 =	rddreg [dreg:$0x1];
	p0 =	sne.s32 s2, $0x0  }
0x188: {  	s3 =	rddreg [dreg:$0x2];
	[bflag:$0x3] =	sbarrier.arrive $0xFFFF;
	s2 =	simm.s32 @!p0 $0x1C04  }
0x189: {  	[timem:s3], [sflag:s2] =	dma.local @!p0 [hbm:s0], s1  }
0x18a: {  	s0 =	simm.s32 @!p0 $0x4  }
0x18b: {  	_ =	swait.ge @!p0 [sflag:s0], s1  }
0x18c: {  	s1 =	ssub.s32 @!p0 $0x0, s1;
	[sflag:s0] =	ssyncset.done @!p0 $0x0  }
0x18d: {  	[sflag:s0] =	ssyncadd.s32 @!p0 s1  }
0x18e: {  	[bflag:$0x3] =	sbarrier.arrive $0xFFFF  }
0x18f: {  	_ =	shalt  }

// kernel: kernel.8.cloned.1.call-start
scs
__scs_entry_jumppad:
0x0: {  	(pc) =	sbr.rel $0x88, $3  }
0x1: {  	(tag) =	ssettag $0x0;
	lr =	simm.s32 $0x1  }
0x2: {  	[smem:$0x3F94] =	sst lr;
	_ =	strace $0xD0000000  }
0x3: {  	_ = 	snop  }
0x4: {  	_ = 	snop  }
0x5: {  	_ = 	snop  }
0x6: {  	_ = 	snop  }
0x7: {  	_ = 	snop  }
__scs_overlays_trampoline_lowered:
0x8: {  	[smem:$0x3FA3] =	sst s0  }
0x9: {  	[smem:$0x3FA4] =	sst s1  }
0xa: {  	[smem:$0x3FA5] =	sst s2  }
0xb: {  	[smem:$0x3FA6] =	sst s3  }
0xc: {  	[smem:$0x3FA7] =	sst s4  }
0xd: {  	[smem:$0x3FA8] =	sst s5  }
0xe: {  	[smem:$0x3FA9] =	sst s6  }
0xf: {  	[smem:$0x3FAA] =	sst s7  }
0x10: {  	[smem:$0x3FAB] =	sst s8  }
0x11: {  	[smem:$0x3FAC] =	sst s9;
	s0 =	simm.s32 @!p0 $0x0  }
0x12: {  	s1 =	sld [smem:$0x3F92];
	s0 =	simm.s32 @p0 $0x1  }
0x13: {  	[smem:$0x3FAD] =	sst s0;
	s0 =	simm.s32 @!p1 $0x0  }
0x14: {  	s2 =	sld [smem:$0x3F91];
	s0 =	simm.s32 @p1 $0x1  }
0x15: {  	[smem:$0x3FAE] =	sst s0;
	s0 =	simm.s32 @!p2 $0x0  }
0x16: {  	s3 =	sld [smem:$0x3FDB];
	s0 =	simm.s32 @p2 $0x1  }
0x17: {  	s4 =	simm.s32 $0x1BF5;
	[smem:$0x3FB0] =	sst s0  }
0x18: {  	s0 =	sld [smem:$0x3F93];
	_ =	swait.ge [sflag:s4], $0x0  }
0x19: {  	s7 =	sld [smem:$0x3F94]  }
0x1a: {  	s8 =	sadd.s32 $0xFFFFE003, lr  }
0x1b: {  	s9 =	sadd.s32 $0xFFFFFEF7, lr;
	s5 =	simm.s32 $0xFFFFFFFF;
	p2 =	slt.u32 s8, $0xFFFFF086  }
0x1c: {  	p1 =	slt.u32 s9, $0xF7A;
	s5 =	simm.s32 @!p2 $0x0  }
0x1d: {  	s5 =	simm.s32 @p1 $0x1;
	p0 =	seq.s32 s7, s2  }
0x1e: {  	s7 =	smul.u32 @!p0 $0xF7A, s2;
	p2 =	seq.s32 @!p0 s5, $0x0  }
0x1f: {  	s9 =	smul.u32 $0xF7A, s1;
	s8 =	simm.s32 @!p0 $0x1BF5;
	p2 =	por !p2, p0  }
0x20: {  	[sflag:s8] =	ssyncset.s32 @!p0 $0xFFFFF086;
	s6 =	sadd.s32 @!p0 s3, s7;
	s7 =	simm.s32 @!p0 $0x108  }
0x21: {  	s3 =	sadd.s32 s3, s9;
	s6 =	sadd.s32 @!p0 $0x88, s6;
	s7 =	simm.s32 @p2 $0x1082  }
0x22: {  	[simem:s7], [sflag:s8] =	dma.local @!p0 [hbm:s6], $0xF7A  }
0x23: {  	s9 =	sor.u32 $0xD0000000, s2;
	s6 =	simm.s32 $0x108;
	_ =	swait.ge @!p0 [sflag:s8], $0x0  }
0x24: {  	s3 =	sadd.s32 $0x88, s3;
	s6 =	simm.s32 @!p1 $0x1082;
	[sflag:s4] =	ssyncset.s32 $0xFFFFF086  }
0x25: {  	[simem:s6], [sflag:s4] =	dma.local [hbm:s3], $0xF7A  }
0x26: {  	[smem:$0x3F94] =	sst s1;
	(tag) =	ssettag s2;
	_ =	strace s9  }
0x27: {  	s1 =	sld [smem:$0x3FA4]  }
0x28: {  	s2 =	sld [smem:$0x3FA5]  }
0x29: {  	s4 =	sld [smem:$0x3FA7]  }
0x2a: {  	p0 =	seq.s32 s5, $0x0;
	s5 =	sld [smem:$0x3FA8]  }
0x2b: {  	s6 =	sld [smem:$0x3FA9]  }
0x2c: {  	s7 =	sld [smem:$0x3FAA]  }
0x2d: {  	s3 =	simm.s32 $0x108;
	s8 =	sld [smem:$0x3FAB]  }
0x2e: {  	s3 =	simm.s32 @!p0 $0x1082;
	s9 =	sld [smem:$0x3FAC]  }
0x2f: {  	lr =	sadd.s32 s0, s3;
	s0 =	sld [smem:$0x3FA3]  }
0x30: {  	s3 =	sld [smem:$0x3FA6]  }
0x31: {  	[smem:$0x3FAF] =	sst s10  }
0x32: {  	s10 =	sld [smem:$0x3FAD];
	_ =	sdelay $0x3  }
0x33: {  	p0 =	seq.s32 s10, $0x1;
	s10 =	sld [smem:$0x3FAF];
	_ =	sdelay $0x3  }
0x34: {  	[smem:$0x3FAF] =	sst s10  }
0x35: {  	s10 =	sld [smem:$0x3FAE];
	_ =	sdelay $0x3  }
0x36: {  	p1 =	seq.s32 s10, $0x1;
	s10 =	sld [smem:$0x3FAF];
	_ =	sdelay $0x3  }
0x37: {  	[smem:$0x3FAF] =	sst s10  }
0x38: {  	s10 =	sld [smem:$0x3FB0]  }
0x39: {  	_ = 	snop;
	(pc) =	sbr.ind lr, $3  }
0x3a: {  	_ = 	snop  }
0x3b: {  	_ = 	snop  }
0x3c: {  	p2 =	seq.s32 s10, $0x1;
	s10 =	sld [smem:$0x3FAF]  }
0x3d: {  	_ =	shalt  }
0x3e: {  	_ =	shalt  }
0x3f: {  	_ =	shalt  }
0x40: {  	_ =	shalt  }
0x41: {  	_ =	shalt  }
0x42: {  	_ =	shalt  }
0x43: {  	_ =	shalt  }
0x44: {  	_ =	shalt  }
0x45: {  	_ =	shalt  }
0x46: {  	_ =	shalt  }
0x47: {  	_ =	shalt  }
0x48: {  	_ =	shalt  }
0x49: {  	_ =	shalt  }
0x4a: {  	_ =	shalt  }
0x4b: {  	_ =	shalt  }
0x4c: {  	_ =	shalt  }
0x4d: {  	_ =	shalt  }
0x4e: {  	_ =	shalt  }
0x4f: {  	_ =	shalt  }
0x50: {  	_ =	shalt  }
0x51: {  	_ =	shalt  }
0x52: {  	_ =	shalt  }
0x53: {  	_ =	shalt  }
0x54: {  	_ =	shalt  }
0x55: {  	_ =	shalt  }
0x56: {  	_ =	shalt  }
0x57: {  	_ =	shalt  }
0x58: {  	_ =	shalt  }
0x59: {  	_ =	shalt  }
0x5a: {  	_ =	shalt  }
0x5b: {  	_ =	shalt  }
0x5c: {  	_ =	shalt  }
0x5d: {  	_ =	shalt  }
0x5e: {  	_ =	shalt  }
0x5f: {  	_ =	shalt  }
0x60: {  	_ =	shalt  }
0x61: {  	_ =	shalt  }
0x62: {  	_ =	shalt  }
0x63: {  	_ =	shalt  }
0x64: {  	_ =	shalt  }
0x65: {  	_ =	shalt  }
0x66: {  	_ =	shalt  }
0x67: {  	_ =	shalt  }
0x68: {  	_ =	shalt  }
0x69: {  	_ =	shalt  }
0x6a: {  	_ =	shalt  }
0x6b: {  	_ =	shalt  }
0x6c: {  	_ =	shalt  }
0x6d: {  	_ =	shalt  }
0x6e: {  	_ =	shalt  }
0x6f: {  	_ =	shalt  }
0x70: {  	_ =	shalt  }
0x71: {  	_ =	shalt  }
0x72: {  	_ =	shalt  }
0x73: {  	_ =	shalt  }
0x74: {  	_ =	shalt  }
0x75: {  	_ =	shalt  }
0x76: {  	_ =	shalt  }
0x77: {  	_ =	shalt  }
0x78: {  	_ =	shalt  }
0x79: {  	_ =	shalt  }
0x7a: {  	_ =	shalt  }
0x7b: {  	_ =	shalt  }
0x7c: {  	_ =	shalt  }
0x7d: {  	_ =	shalt  }
0x7e: {  	_ =	shalt  }
0x7f: {  	_ =	shalt  }
0x80: {  	_ =	shalt  }
0x81: {  	_ =	shalt  }
0x82: {  	_ =	shalt  }
0x83: {  	_ =	shalt  }
0x84: {  	_ =	shalt  }
0x85: {  	_ =	shalt  }
0x86: {  	_ =	shalt  }
0x87: {  	_ =	shalt  }
.Lfunc_end0:
.L_simem_size_0:
called_computation_lowered:
.L_overlay_start_0:
0x88: {  	s2 =	sld [smem:$0x3FD9]  }
0x89: {  	s3 =	sld [smem:$0x3FFE];
	_ =	sdelay $0x1  }
0x8a: {  	s1 =	srdreg.scid  }
0x8b: {  	s0 =	sand.u32 $0x1, s1  }
0x8c: {  	s16 =	sshll.u32 s0, $0xA;
	s2 =	sadd.s32 s3, s2  }
0x8d: {  	s2 =	sadd.s32 s2, s16  }
0x8e: {  	[smem:$0x3FBB] =	sst s2  }
0x8f: {  	_ = 	snop  }
0x90: {  	(tm) =	ssettm $0x1  }
0x91: {  	s17 =	sld [smem:$0x3FFB];
	_ =	sdelay $0x3  }
0x92: {  	_ =	strace s17  }
0x93: {  	s2 =	sld [smem:$0x3FFC];
	_ =	sdelay $0x3  }
0x94: {  	_ =	strace s2  }
0x95: {  	s2 =	sld [smem:$0x3FFD];
	_ =	sdelay $0x3  }
0x96: {  	_ =	strace s2  }
0x97: {  	_ =	strace $0x8FFFFFFF  }
0x98: {  	s18 =	sld [smem:$0x3FDB];
	_ =	sdelay $0x1  }
0x99: {  	s19 =	simm.s32 $_scs_section_size  }
0x9a: {  	s4 =	simm.s32 $_size__tile_overlayer_lowered;
	s5 =	simm.s32 $_tile_overlayer_lowered  }
0x9b: {  	s22 =	simm.s32 $0x1BFF;
	s21 =	sshll.u32 s5, $0x1;
	s2 =	sadd.s32 s19, s18  }
0x9c: {  	s6 =	simm.s32 $0x0;
	s20 =	sshll.u32 s4, $0x1;
	s4 =	sadd.s32 s21, s2  }
0x9d: {  	[timem:s6], [sflag:s22] =	dma.local [hbm:s4], s20  }
0x9e: {  	_ =	swait.ge [sflag:s22], s20  }
0x9f: {  	s3 =	ssub.s32 $0x0, s20;
	[sflag:s22] =	ssyncset.done $0x0  }
0xa0: {  	[sflag:s22] =	ssyncadd.s32 s3;
	_ =	sdelay $0x1  }
0xa1: {  	s23 =	simm.s32 $0x1B8B  }
0xa2: {  	_ =	swait.ge [sflag:s23], $0x1  }
0xa3: {  	[sflag:s23] =	ssyncset.done $0x0  }
0xa4: {  	s25 =	simm.s32 $0x1B8E;
	s24 =	sld [smem:$0x3FFE];
	[sflag:s23] =	ssyncadd.s32 $0xFFFFFFFF  }
0xa5: {  	s26 =	simm.s32 $execute0_lowered;
	[smem:$0x3FD2] =	sst s25  }
0xa6: {  	s4 =	sshll.u32 s26, $0x1;
	_ =	strace $0x80000046;
	[dreg:$0x1] =	wrdreg $0xFFFFFFFF  }
0xa7: {  	s28 =	simm.s32 $_size_execute0_lowered;
	s2 =	sadd.s32 s2, s4;
	[dreg:$0x0] =	wrdreg $0x0  }
0xa8: {  	s4 =	sshll.u32 s28, $0x1;
	[dreg:$0x2] =	wrdreg s2  }
0xa9: {  	[dreg:$0x3] =	wrdreg s4  }
0xaa: {  	[dreg:$0x4] =	wrdreg $0xC0  }
0xab: {  	_ =	task [dreg:s6], $0x5FFFF  }
0xac: {  	[dreg:$0x1] =	wrdreg $0xFFFFFFFF  }
0xad: {  	[dreg:$0x0] =	wrdreg $0x60  }
0xae: {  	[dreg:$0x2] =	wrdreg s24  }
0xaf: {  	[dreg:$0x3] =	wrdreg $0x9  }
0xb0: {  	_ =	task.clear_ibuf [dreg:s6], $0x4FFFF;
	_ =	strace $0x90000046  }
0xb1: {  	s29 =	simm.s32 $0x9;
	_ =	strace $0x80000048  }
0xb2: {  	_ =	swait.ge [sflag:s29], $0x1  }
0xb3: {  	[sflag:s29] =	ssyncadd.s32 $0xFFFFFFFF  }
0xb4: {  	_ =	strace $0x90000048  }
0xb5: {  	_ =	sfence  }
0xb6: {  	s30 =	sld [smem:$0x0];
	_ =	sdelay $0x2  }
0xb7: {  	s31 =	sshll.u32 s1, $0xD;
	s1 =	sshrl.u32 s1, $0x2  }
0xb8: {  	s3 =	sand.u32 $0x4000, s31;
	s1 =	sadd.s32 s1, s30  }
0xb9: {  	s0 =	sor.u32 s3, s0;
	s1 =	sshll.u32 s1, $0x11  }
0xba: {  	s0 =	sor.u32 s1, s0  }
0xbb: {  	s0 =	sadd.s32 $0x8F2B, s0  }
0xbc: {  	[sflag:s0] =	ssyncadd.remote.s32 $0x1  }
0xbd: {  	_ =	sfence.sel $0xFFFF  }
0xbe: {  	[dreg:$0x0] =	wrdreg $0xFFFFFFFF;
	(pc) =	sbr.abs _section_cstart, $3  }
0xbf: {  	[dreg:$0x1] =	wrdreg $0xFFFFFFFF  }
0xc0: {  	_ =	task.clear_ibuf [dreg:s6], $0x2FFFF;
	_ =	strace $0x9FFFFFFF  }
0xc1: {  	(tm) =	ssettm $0x7FFFFFFF  }
tec
execute0_lowered:
.L_overlay_start_1:
0x0: {  	(tag) =	ssettag $0x1  }
0x1: {  	s1 =	srdreg.scid  }
0x2: {  	s0 =	stileid.u32;
	s3 =	rddreg [dreg:$0x0];
	s8 =	simm.s32 $0x80  }
0x3: {  	s9 =	simm.s32 $0x400;
	s10 =	simm.s32 $0x2;
	s11 =	simm.s32 $0x0  }
0x4: {  	s4 =	sand.u32 $0x1, s1;
	s2 =	sshll.u32 s0, $0x1;
	s1 =	rddreg [dreg:$0x1]  }
0x5: {  	s6 =	sshrl.u32 s0, $0x2;
	s5 =	sor.u32 s4, s2;
	s2 =	simm.s32 $0x0  }
0x6: {  	s6 =	smul.u32 $0x13C00, s6;
	s4 =	ssub.s32 $0x2, s4;
	s7 =	sshll.u32 s5, $0x7  }
0x7: {  	[smem:$0x7FF] =	sst s2;
	s5 =	smul.u32 $0x4E2, s5;
	s7 =	sand.u32 $0x380, s7  }
0x8: {  	s31 =	sshrl.u32 s4, $0x1;
	_ =	strace $0x80000047;
	s6 =	sor.u32 s6, s7  }
0x9: {  	s5 =	sadd.s32 s5, s3;
	s7 =	ssub.s32 s4, s31;
	s6 =	sshrl.u32 s6, $0x3  }
0xa: {  	s6 =	sadd.s32 s6, s3;
	s3 =	sadd.s32 $0x2800, s5;
	s5 =	smax.u32 s7, $0x1  }
0xb: {  	v0 =	vimm.f32 $0.0e+00;
	v1 =	vimm.f32 $1.000000000e+00;
	s7 =	simm.s32 $0x1;
	s4 =	sadd.s32 $0xC600, s6;
	s6 =	simm.s32 $0x2780  }
.LBB2_1:
0xc: {  	[tilespmem:s6], [sflag:$0x1] =	stream.linear.gather [hbm4b:s3+s2], $0x2710, $0x38;
	[tilespmem:$0x4F00] =	vst v63  }
0xd: {  	s12 =	simm.s32 $0x40  }
0xe: {  	[tilespmem:s12+$0xFFFFFFC0] =	vst v0  }
0xf: {  	[tilespmem:s12+$0x30] =	vst v0  }
0x10: {  	[tilespmem:s12+$0x20] =	vst v0  }
0x11: {  	[tilespmem:s12+$0x10] =	vst v0  }
0x12: {  	[tilespmem:s12+$0x0] =	vst v0  }
0x13: {  	[tilespmem:s12+$0xFFFFFFF0] =	vst v0  }
0x14: {  	s13 =	simm.s32 $0x0;
	[tilespmem:s12+$0xFFFFFFE0] =	vst v0  }
.LBB2_2:
0x15: {  	s13 =	sadd.s32 $0x8, s13;
	[tilespmem:s12+$0xFFFFFFD0] =	vst v0;
	s12 =	sadd.s32 $0x80, s12  }
0x16: {  	[tilespmem:s12+$0xFFFFFFC0] =	vst v0;
	p0 =	slt.u32 s13, $0x268  }
0x17: {  	[tilespmem:s12+$0x30] =	vst v0  }
.Ltmp0:
0x18: {  	[tilespmem:s12+$0x20] =	vst v0;
	(pc) =	sbr.rel @p0 .LBB2_2-.Ltmp0, $4  }
0x19: {  	[tilespmem:s12+$0x10] =	vst v0  }
0x1a: {  	[tilespmem:s12+$0x0] =	vst v0  }
0x1b: {  	[tilespmem:s12+$0xFFFFFFF0] =	vst v0  }
0x1c: {  	[tilespmem:s12+$0xFFFFFFE0] =	vst v0  }
0x1d: {  	[tilespmem:s12+$0xFFFFFFD0] =	vst v0  }
0x1e: {  	[tilespmem:$0x2700] =	vst v0  }
0x1f: {  	_ =	swait.ge [sflag:s7], $0x2710  }
0x20: {  	[sflag:s7] =	ssyncset.done $0x0  }
0x21: {  	s12 =	simm.s32 $0x27C0;
	[sflag:s7] =	ssyncadd.s32 $0xFFFFD8F0  }
0x22: {  	v3 =	vld [tilespmem:s12+$0xFFFFFFC0]  }
0x23: {  	v4 =	vld [tilespmem:s12+$0x30]  }
0x24: {  	v5 =	vld [tilespmem:s12+$0x20]  }
0x25: {  	v6 =	vld [tilespmem:s12+$0x10]  }
0x26: {  	v7 =	vld [tilespmem:s12+$0x0]  }
0x27: {  	v8 =	vld [tilespmem:s12+$0xFFFFFFF0]  }
0x28: {  	v9 =	vld [tilespmem:s12+$0xFFFFFFE0]  }
0x29: {  	v2 =	vld [tilespmem:s12+$0xFFFFFFD0]  }
0x2a: {  	[tilespmem:v3+s2+$0x0] =	vst.idx.add.f32.msk $0xffff, v1  }
0x2b: {  	[tilespmem:v4+s2+$0x0] =	vst.idx.add.f32.msk $0xffff, v1  }
0x2c: {  	[tilespmem:v5+s2+$0x0] =	vst.idx.add.f32.msk $0xffff, v1  }
0x2d: {  	[tilespmem:v6+s2+$0x0] =	vst.idx.add.f32.msk $0xffff, v1  }
0x2e: {  	[tilespmem:v7+s2+$0x0] =	vst.idx.add.f32.msk $0xffff, v1  }
0x2f: {  	[tilespmem:v8+s2+$0x0] =	vst.idx.add.f32.msk $0xffff, v1  }
0x30: {  	s13 =	simm.s32 $0x0;
	[tilespmem:v9+s2+$0x0] =	vst.idx.add.f32.msk $0xffff, v1  }
.LBB2_4:
0x31: {  	s13 =	sadd.s32 $0x8, s13;
	[tilespmem:v2+s2+$0x0] =	vst.idx.add.f32.msk $0xffff, v1;
	s12 =	sadd.s32 $0x80, s12  }
0x32: {  	v3 =	vld [tilespmem:s12+$0xFFFFFFC0];
	p0 =	slt.u32 s13, $0x268  }
0x33: {  	v4 =	vld [tilespmem:s12+$0x30]  }
0x34: {  	v5 =	vld [tilespmem:s12+$0x20]  }
0x35: {  	v6 =	vld [tilespmem:s12+$0x10]  }
0x36: {  	v7 =	vld [tilespmem:s12+$0x0]  }
0x37: {  	v8 =	vld [tilespmem:s12+$0xFFFFFFF0]  }
0x38: {  	v9 =	vld [tilespmem:s12+$0xFFFFFFE0]  }
0x39: {  	v2 =	vld [tilespmem:s12+$0xFFFFFFD0]  }
0x3a: {  	[tilespmem:v3+s2+$0x0] =	vst.idx.add.f32.msk $0xffff, v1  }
0x3b: {  	[tilespmem:v4+s2+$0x0] =	vst.idx.add.f32.msk $0xffff, v1  }
.Ltmp1:
0x3c: {  	[tilespmem:v5+s2+$0x0] =	vst.idx.add.f32.msk $0xffff, v1;
	(pc) =	sbr.rel @p0 .LBB2_4-.Ltmp1, $4  }
0x3d: {  	[tilespmem:v6+s2+$0x0] =	vst.idx.add.f32.msk $0xffff, v1  }
0x3e: {  	[tilespmem:v7+s2+$0x0] =	vst.idx.add.f32.msk $0xffff, v1  }
0x3f: {  	[tilespmem:v8+s2+$0x0] =	vst.idx.add.f32.msk $0xffff, v1  }
0x40: {  	[tilespmem:v9+s2+$0x0] =	vst.idx.add.f32.msk $0xffff, v1  }
0x41: {  	_ =	sdelay $0x3  }
0x42: {  	[tilespmem:v2+s2+$0x0] =	vst.idx.add.f32.msk $0xffff, v1  }
0x43: {  	v2 =	vld [tilespmem:$0x4E80];
	_ =	sdelay $0x5  }
0x44: {  	s11 =	sadd.s32 $0x1, s11  }
0x45: {  	p0 =	sne.s32 s11, s5  }
.Ltmp2:
0x46: {  	[tilespmem:v2+s2+$0x0] =	vst.idx.add.f32.msk $0xffff, v1;
	(pc) =	sbr.rel @p0 .LBB2_1-.Ltmp2, $4  }
0x47: {  	[hbm4b:s4+s8] =	stream.strided.scatter [tilespmem:s2], [sflag:$0x2], $0x2780, s9, s8, $0x38;
	[tilespmem:$0x4F00] =	vst v63  }
0x48: {  	_ =	swait.ge [sflag:s10], $0x2780  }
0x49: {  	[sflag:s10] =	ssyncset.done $0x0  }
0x4a: {  	[sflag:s10] =	ssyncadd.s32 $0xFFFFD880  }
0x4b: {  	_ =	sfence.sel $0x180000  }
0x4c: {  	[bflag:$0x0] =	sbarrier.arrive $0xFFFF  }
0x4d: {  	p0 =	sne.s32 s0, $0x0;
	_ =	strace $0x90000047  }
0x4e: {  	s0 =	sadd.s32 @!p0 $0x100000, s1;
	[bflag:$0x2] =	sbarrier.arrive $0xFFFF  }
0x4f: {  	[sflag:s0] =	ssyncadd.tile.s32 @!p0 $0x1;
	_ =	shalt  }
.Lfunc_end2:
_tile_overlayer_lowered:
.L_overlay_start_2:
0x50: {  	(tag) =	ssettag $0x2  }
0x51: {  	s0 =	rddreg [dreg:$0x0];
	s2 =	stileid.u32  }
0x52: {  	s1 =	rddreg [dreg:$0x1];
	p0 =	sne.s32 s2, $0x0  }
0x53: {  	s3 =	rddreg [dreg:$0x2];
	[bflag:$0x3] =	sbarrier.arrive $0xFFFF;
	s2 =	simm.s32 @!p0 $0x1C02  }
0x54: {  	[timem:s3], [sflag:s2] =	dma.local @!p0 [hbm:s0], s1  }
0x55: {  	s0 =	simm.s32 @!p0 $0x2  }
0x56: {  	_ =	swait.ge @!p0 [sflag:s0], s1  }
0x57: {  	s1 =	ssub.s32 @!p0 $0x0, s1;
	[sflag:s0] =	ssyncset.done @!p0 $0x0  }
0x58: {  	[sflag:s0] =	ssyncadd.s32 @!p0 s1  }
0x59: {  	[bflag:$0x3] =	sbarrier.arrive $0xFFFF  }
0x5a: {  	_ =	shalt  }

</sc_bundles>
